<compile_context>
chip_gen: v7x
topology: tpu7x:2x2x1
jax: 0.10.2.dev20260603
libtpu: 0.0.44.dev20260713+nightly
codegen_flags: <defaults>
</compile_context>

<pallas_src>
import dataclasses
import functools

import jax
import jax.numpy as jnp
from jax import lax
from jax.experimental import pallas as pl
from jax.experimental.pallas import tpu as pltpu
from jax.experimental.pallas import tpu_sc as plsc

N = 10000
D = 128
E = 320000

NC = 2
NS = 16
NW = NC * NS
CHUNK = 128
CH = 80
IB = 40
EPAD = NW * CH * CHUNK
NPAD = 10240
RPS = NPAD // NS

BLK = 1280
GRID = NPAD // BLK

_mesh = plsc.VectorSubcoreMesh(core_axis_name="c", subcore_axis_name="s")
_f32 = jnp.float32


def _fill(ref, value):
    @pl.loop(0, ref.shape[0])
    def _(i):
        @pl.loop(0, ref.shape[1], step=16)
        def _(c):
            ref.at[i, pl.ds(c, 16)][...] = jnp.full((16,), value, _f32)



HR = NPAD // CHUNK

_sc_params = pltpu.CompilerParams()
if "needs_layout_passes" in pltpu.CompilerParams.__dataclass_fields__:
    _sc_params = dataclasses.replace(_sc_params, needs_layout_passes=False)


@functools.partial(
    pl.kernel,
    out_type=jax.ShapeDtypeStruct((NC, HR, CHUNK), _f32),
    mesh=_mesh,
    compiler_params=_sc_params,
    scratch_types=[
        pltpu.VMEM((CH, CHUNK), jnp.int32),
        pltpu.VMEM((HR, CHUNK), _f32),
        pltpu.VMEM((8, CHUNK), _f32),
        pltpu.VMEM((HR,), jnp.int32),
        pltpu.VMEM_SHARED((HR, CHUNK), _f32),
    ],
)
def _sc_degree(dst_hbm, out_hbm, dst_v, hist_v, zero_v, iota_v, acc_sh):
    cid = lax.axis_index("c")
    sid = lax.axis_index("s")
    wid = sid * NC + cid

    lane = lax.iota(jnp.int32, 16)

    @pl.loop(0, HR)
    def _(r):
        @pl.loop(0, CHUNK, step=16)
        def _(c):
            hist_v.at[r, pl.ds(c, 16)][...] = jnp.zeros((16,), _f32)

    @pl.loop(0, 8)
    def _(r):
        @pl.loop(0, CHUNK, step=16)
        def _(c):
            zero_v.at[r, pl.ds(c, 16)][...] = jnp.zeros((16,), _f32)

    @pl.loop(0, HR, step=16)
    def _(r):
        iota_v.at[pl.ds(r, 16)][...] = lane + r

    @pl.when(sid < HR // 8)
    def _():
        pltpu.sync_copy(zero_v, acc_sh.at[pl.ds(sid * 8, 8)])

    plsc.subcore_barrier()
    pltpu.sync_copy(dst_hbm.at[wid], dst_v)

    ones = jnp.full((16,), 1.0, _f32)

    @pl.loop(0, CH)
    def _(j):
        @pl.loop(0, CHUNK, step=16)
        def _(c):
            idx = dst_v.at[j, pl.ds(c, 16)][...]
            row = lax.shift_right_logical(idx, 7)
            col = lax.bitwise_and(idx, 127)
            plsc.addupdate_scatter(hist_v, [row, col], ones)

    pltpu.sync_copy(hist_v, acc_sh.at[iota_v], add=True)
    plsc.subcore_barrier()

    @pl.when(sid < HR // 8)
    def _():
        pltpu.sync_copy(acc_sh.at[pl.ds(sid * 8, 8)],
                        out_hbm.at[cid, pl.ds(sid * 8, 8)])


NB = 4
EC = 64
CHE = EPAD // NW // EC
IBE = 40


@functools.partial(
    pl.kernel,
    out_type=jax.ShapeDtypeStruct((NC, NPAD, D), _f32),
    mesh=_mesh,
    scratch_types=[
        pltpu.VMEM((IBE, EC), jnp.int32),
        pltpu.VMEM((IBE, EC), jnp.int32),
        [pltpu.VMEM((EC, D), _f32)] * NB,
        pltpu.VMEM_SHARED((NPAD, D), _f32),
        [pltpu.SemaphoreType.DMA] * NB,
    ],
)
def _sc_edge_pass(g_hbm, src_hbm, dst_hbm, out_hbm,
                  src_i, dst_i, rows, acc_sh, sems):
    cid = lax.axis_index("c")
    sid = lax.axis_index("s")
    wid = sid * NC + cid

    _fill(rows[0], 0.0)

    @pl.loop(0, RPS // EC)
    def _(k):
        pltpu.sync_copy(rows[0], acc_sh.at[pl.ds(sid * RPS + k * EC, EC)])

    plsc.subcore_barrier()

    @pl.loop(0, CHE, step=IBE)
    def _(jb):
        pltpu.sync_copy(src_hbm.at[wid, pl.ds(jb, IBE)], src_i)
        pltpu.sync_copy(dst_hbm.at[wid, pl.ds(jb, IBE)], dst_i)
        for k in range(NB):
            pltpu.async_copy(g_hbm.at[src_i.at[k]], rows[k], sems[k])

        @pl.loop(0, IBE, step=NB)
        def _(t):
            for k in range(NB):
                pltpu.make_async_copy(g_hbm.at[src_i.at[t + k]], rows[k],
                                      sems[k]).wait()
                pltpu.sync_copy(rows[k], acc_sh.at[dst_i.at[t + k]], add=True)

                @pl.when(t + k + NB < IBE)
                def _(k=k):
                    pltpu.async_copy(g_hbm.at[src_i.at[t + k + NB]], rows[k],
                                     sems[k])

    plsc.subcore_barrier()
    pltpu.sync_copy(acc_sh.at[pl.ds(sid * RPS, RPS)],
                    out_hbm.at[cid, pl.ds(sid * RPS, RPS)])



def _dinv_block(dega_ref, degb_ref):
    deg = dega_ref[:, 0:1] + degb_ref[:, 0:1] + 1.0
    return lax.rsqrt(deg)


def _mm_body(x_ref, w_ref, o_ref):
    o_ref[...] = jnp.dot(x_ref[...], w_ref[...],
                         preferred_element_type=_f32,
                         precision=lax.Precision.HIGHEST)


def _scale_body(h_ref, dega_ref, degb_ref, o_ref):
    o_ref[...] = h_ref[...] * _dinv_block(dega_ref, degb_ref)


def _mid_body(g_ref, acca_ref, accb_ref, dega_ref, degb_ref, w_ref, b_ref,
              o_ref):
    dinv = _dinv_block(dega_ref, degb_ref)
    h = (g_ref[...] + acca_ref[...] + accb_ref[...]) * dinv + b_ref[...]
    h = jnp.maximum(h, 0.0)
    o_ref[...] = jnp.dot(h, w_ref[...], preferred_element_type=_f32,
                         precision=lax.Precision.HIGHEST) * dinv


def _final_body(g_ref, acca_ref, accb_ref, dega_ref, degb_ref, b_ref, o_ref):
    dinv = _dinv_block(dega_ref, degb_ref)
    o_ref[...] = (g_ref[...] + acca_ref[...] + accb_ref[...]) * dinv + b_ref[...]


_row_spec = pl.BlockSpec((BLK, D), lambda i: (i, 0))
_deg_spec = pl.BlockSpec((BLK, 1), lambda i: (i, 0))
_w_spec = pl.BlockSpec((D, D), lambda i: (0, 0))
_b_spec = pl.BlockSpec((1, D), lambda i: (0, 0))
_row_out = jax.ShapeDtypeStruct((NPAD, D), _f32)

FBLK = 2000
FGRID = N // FBLK
_frow_spec = pl.BlockSpec((FBLK, D), lambda i: (i, 0))
_fdeg_spec = pl.BlockSpec((FBLK, 1), lambda i: (i, 0))
_fb_spec = pl.BlockSpec((1, D), lambda i: (0, 0))

_tc_mm = pl.pallas_call(
    _mm_body, grid=(GRID,), out_shape=_row_out,
    in_specs=[_row_spec, _w_spec], out_specs=_row_spec)

_tc_scale = pl.pallas_call(
    _scale_body, grid=(GRID,), out_shape=_row_out,
    in_specs=[_row_spec, _deg_spec, _deg_spec], out_specs=_row_spec)

_tc_mid = pl.pallas_call(
    _mid_body, grid=(GRID,), out_shape=_row_out,
    in_specs=[_row_spec, _row_spec, _row_spec, _deg_spec, _deg_spec,
              _w_spec, _b_spec],
    out_specs=_row_spec)

_tc_final = pl.pallas_call(
    _final_body, grid=(FGRID,), out_shape=jax.ShapeDtypeStruct((N, D), _f32),
    in_specs=[_frow_spec, _frow_spec, _frow_spec, _fdeg_spec, _fdeg_spec,
              _fb_spec],
    out_specs=_frow_spec)



def kernel(x, edge_index, W1, b1, W2, b2):
    src = edge_index[0].astype(jnp.int32)
    dst = edge_index[1].astype(jnp.int32)
    pad = N + jnp.arange(EPAD - E, dtype=jnp.int32) % (NPAD - N)
    src_p = jnp.concatenate([src, pad])
    dst_p = jnp.concatenate([dst, pad])
    dst_r = dst_p.reshape(NW, CH, CHUNK)
    src_e = src_p.reshape(NW, CHE, EC)
    dst_e = dst_p.reshape(NW, CHE, EC)
    b1r = b1.reshape(1, D)
    b2r = b2.reshape(1, D)

    deg = _sc_degree(dst_r)
    dega = deg[0].reshape(NPAD, 1)
    degb = deg[1].reshape(NPAD, 1)

    h1 = _tc_mm(x, W1)
    g1 = _tc_scale(h1, dega, degb)
    acc1 = _sc_edge_pass(g1, src_e, dst_e)
    g2 = _tc_mid(g1, acc1[0], acc1[1], dega, degb, W2, b1r)
    acc2 = _sc_edge_pass(g2, src_e, dst_e)
    return _tc_final(g2, acc2[0], acc2[1], dega, degb, b2r)

# --- scband reference (transcript-rebuilt; emitter-appended) ---
"""Pipeline reference for scband-gcn-53163105189936 (READ-ONLY COPY).

The authoritative reference and input builder live on the scoring server;
editing this copy changes nothing except your own understanding.
"""

import jax, jax.numpy as jnp
import numpy as np

N_NODES = 10000
D_FEAT = 128
N_EDGES = 320000


def _gcn_conv(x, edge_index, W, b):
    # PyG GCNConv: add self-loops, symmetric normalization, x @ W, scatter-add, + bias
    n = x.shape[0]
    loop = jnp.arange(n, dtype=edge_index.dtype)
    src = jnp.concatenate([edge_index[0], loop])
    dst = jnp.concatenate([edge_index[1], loop])
    ew = jnp.ones(src.shape[0], dtype=x.dtype)
    deg = jnp.zeros(n, dtype=x.dtype).at[dst].add(ew)
    deg_inv_sqrt = jnp.where(deg > 0, 1.0 / jnp.sqrt(jnp.where(deg > 0, deg, 1.0)), 0.0)
    norm = deg_inv_sqrt[src] * ew * deg_inv_sqrt[dst]
    h = x @ W
    msgs = h[src] * norm[:, None]
    out = jnp.zeros_like(h).at[dst].add(msgs)
    return out + b


def setup_inputs(seed: int = 0) -> dict:
    key = jax.random.key(seed)
    k1, k2, k3, k4 = jax.random.split(key, 4)
    x = jax.random.normal(k1, (N_NODES, D_FEAT), dtype=jnp.float32)
    edge_index = jax.random.randint(k2, (2, N_EDGES), 0, N_NODES, dtype=jnp.int64)
    W1 = jax.random.normal(k3, (D_FEAT, D_FEAT), dtype=jnp.float32) * 0.05
    b1 = jnp.zeros((D_FEAT,), dtype=jnp.float32)
    W2 = jax.random.normal(k4, (D_FEAT, D_FEAT), dtype=jnp.float32) * 0.05
    b2 = jnp.zeros((D_FEAT,), dtype=jnp.float32)
    return {"x": x, "edge_index": edge_index, "W1": W1, "b1": b1, "W2": W2, "b2": b2}


def reference(x, edge_index, W1, b1, W2, b2):
    # dropout=0.0 -> no-op; batch_norm=False
    h = _gcn_conv(x, edge_index, W1, b1)
    h = jax.nn.relu(h)
    out = _gcn_conv(h, edge_index, W2, b2)
    return out

if __name__ == "__main__":
    import jax
    _d = setup_inputs()
    print(jax.jit(kernel)(*tuple(_d.values())))

</pallas_src>

<mosaic_0001>
#map = affine_map<(d0, d1) -> (0, 0)>
#map1 = affine_map<(d0, d1) -> (0, 0, 0)>
module attributes {stable_mosaic.version = 14 : i64} {
  func.func @_sc_edge_pass(%arg0: i32, %arg1: i32, %arg2: memref<10240x128xf32, #tpu.memory_space<hbm>>, %arg3: memref<32x160x64xi32, #tpu.memory_space<hbm>>, %arg4: memref<32x160x64xi32, #tpu.memory_space<hbm>>, %arg5: memref<2x10240x128xf32, #tpu.memory_space<hbm>>, %arg6: memref<40x64xi32, #tpu.memory_space<vmem>>, %arg7: memref<40x64xi32, #tpu.memory_space<vmem>>, %arg8: memref<64x128xf32, #tpu.memory_space<vmem>>, %arg9: memref<64x128xf32, #tpu.memory_space<vmem>>, %arg10: memref<64x128xf32, #tpu.memory_space<vmem>>, %arg11: memref<64x128xf32, #tpu.memory_space<vmem>>, %arg12: memref<10240x128xf32, #tpu.memory_space<vmem_shared>>, %arg13: memref<!tpu.dma_semaphore, #tpu.memory_space<semaphore_mem>>, %arg14: memref<!tpu.dma_semaphore, #tpu.memory_space<semaphore_mem>>, %arg15: memref<!tpu.dma_semaphore, #tpu.memory_space<semaphore_mem>>, %arg16: memref<!tpu.dma_semaphore, #tpu.memory_space<semaphore_mem>>) attributes {dimension_semantics = [#tpu.dimension_semantics<core_parallel>, #tpu.dimension_semantics<subcore_parallel>], iteration_bounds = array<i64: 2, 16>, scalar_prefetch = 0 : i64, scratch_operands = 11 : i64, tpu.core_type = #tpu.core_type<sc_vector_subcore>, window_params = [{transform_indices = #map}, {transform_indices = #map1}, {transform_indices = #map1}, {transform_indices = #map1}]} {
    %mul3A = arith.constant 2 : i32
    %mul3A_0 = arith.muli %arg1, %mul3A : i32
    %add3A = arith.addi %mul3A_0, %arg0 : i32
    %scan3A = arith.constant 0 : i32
    %scan3A_1 = arith.constant 64 : i32
    %scan3A_2 = arith.addi %scan3A, %scan3A_1 : i32
    %scan3A_3 = arith.constant 1 : i32
    scf.for %scan3A_20 = %scan3A to %scan3A_2 step %scan3A_3  : i32 {
      %mul3A_21 = arith.constant 1 : i32
      %mul3A_22 = arith.muli %scan3A_20, %mul3A_21 : i32
      %add3A_23 = arith.constant 0 : i32
      %add3A_24 = arith.addi %add3A_23, %mul3A_22 : i32
      %scan3A_25 = arith.constant 0 : i32
      %scan3A_26 = arith.constant 8 : i32
      %scan3A_27 = arith.addi %scan3A_25, %scan3A_26 : i32
      %scan3A_28 = arith.constant 1 : i32
      scf.for %scan3A_30 = %scan3A_25 to %scan3A_27 step %scan3A_28  : i32 {
        %mul3A_31 = arith.constant 16 : i32
        %mul3A_32 = arith.muli %scan3A_30, %mul3A_31 : i32
        %add3A_33 = arith.constant 0 : i32
        %add3A_34 = arith.addi %add3A_33, %mul3A_32 : i32
        %broadcast_in_dim3A = arith.constant 0.000000e+00 : f32
        %broadcast_in_dim3A_35 = vector.broadcast %broadcast_in_dim3A : f32 to vector<16xf32>
        %swap3A = arith.index_cast %add3A_24 : i32 to index
        %swap3A_36 = arith.index_cast %add3A_34 : i32 to index
        %swap3A_37 = tpu.vector_load %arg8[%swap3A, %swap3A_36] {strides = array<i32>} : memref<64x128xf32, #tpu.memory_space<vmem>>, vector<1x16xf32>,
        %swap3A_38 = vector.shape_cast %swap3A_37 : vector<1x16xf32> to vector<16xf32>
        %swap3A_39 = vector.shape_cast %broadcast_in_dim3A_35 : vector<16xf32> to vector<1x16xf32>
        tpu.vector_store %arg8[%swap3A, %swap3A_36], %swap3A_39 {strides = array<i32>} : memref<64x128xf32, #tpu.memory_space<vmem>>, vector<1x16xf32>,
      }
      %scan3A_29 = arith.constant 8 : i32
    }
    %scan3A_4 = arith.constant 64 : i32
    %scan3A_5 = arith.constant 0 : i32
    %scan3A_6 = arith.constant 10 : i32
    %scan3A_7 = arith.addi %scan3A_5, %scan3A_6 : i32
    %scan3A_8 = arith.constant 1 : i32
    scf.for %scan3A_20 = %scan3A_5 to %scan3A_7 step %scan3A_8  : i32 {
      %mul3A_21 = arith.constant 1 : i32
      %mul3A_22 = arith.muli %scan3A_20, %mul3A_21 : i32
      %add3A_23 = arith.constant 0 : i32
      %add3A_24 = arith.addi %add3A_23, %mul3A_22 : i32
      %mul3A_25 = arith.constant 640 : i32
      %mul3A_26 = arith.muli %arg1, %mul3A_25 : i32
      %mul3A_27 = arith.constant 64 : i32
      %mul3A_28 = arith.muli %add3A_24, %mul3A_27 : i32
      %add3A_29 = arith.addi %mul3A_26, %mul3A_28 : i32
      "tpu.region"() ({
        %run_scoped3A = tpu.sem_alloc : memref<!tpu.dma_semaphore, #tpu.memory_space<semaphore_mem>>
        %dma_start3A = arith.constant 0 : i32
        %dma_start3A_30 = tpu.memref_slice %arg12[%add3A_29, %dma_start3A] : memref<10240x128xf32, #tpu.memory_space<vmem_shared>> -> memref<64x128xf32, #tpu.memory_space<vmem_shared>>
        %dma_start3A_31 = arith.constant 0 : i32
        %dma_start3A_32 = tpu.memref_slice %arg12[%add3A_29, %dma_start3A_31] : memref<10240x128xf32, #tpu.memory_space<vmem_shared>> -> memref<64x128xf32, #tpu.memory_space<vmem_shared>>
        tpu.enqueue_dma source(%arg8 : memref<64x128xf32, #tpu.memory_space<vmem>>) target(%dma_start3A_32 : memref<64x128xf32, #tpu.memory_space<vmem_shared>>) target_semaphore(%run_scoped3A : memref<!tpu.dma_semaphore, #tpu.memory_space<semaphore_mem>>)
        %dma_wait3A = arith.constant 0 : i32
        %dma_wait3A_33 = tpu.memref_slice %arg12[%add3A_29, %dma_wait3A] : memref<10240x128xf32, #tpu.memory_space<vmem_shared>> -> memref<64x128xf32, #tpu.memory_space<vmem_shared>>
        %dma_wait3A_34 = arith.constant 0 : i32
        %dma_wait3A_35 = tpu.memref_slice %arg12[%add3A_29, %dma_wait3A_34] : memref<10240x128xf32, #tpu.memory_space<vmem_shared>> -> memref<64x128xf32, #tpu.memory_space<vmem_shared>>
        tpu.wait_dma2 semaphore(%run_scoped3A : memref<!tpu.dma_semaphore, #tpu.memory_space<semaphore_mem>>) src(%arg8 : memref<64x128xf32, #tpu.memory_space<vmem>>) dst(%dma_wait3A_35 : memref<64x128xf32, #tpu.memory_space<vmem_shared>>)
        tpu.yield
      }) : () -> ()
    }
    %scan3A_9 = arith.constant 10 : i32
    %barrier3A = arith.constant 0 : index
    tpu.barrier barrier_id(%barrier3A)
    %scan3A_10 = arith.constant 0 : i32
    %scan3A_11 = arith.constant 4 : i32
    %scan3A_12 = arith.addi %scan3A_10, %scan3A_11 : i32
    %scan3A_13 = arith.constant 1 : i32
    scf.for %scan3A_20 = %scan3A_10 to %scan3A_12 step %scan3A_13  : i32 {
      %mul3A_21 = arith.constant 40 : i32
      %mul3A_22 = arith.muli %scan3A_20, %mul3A_21 : i32
      %add3A_23 = arith.constant 0 : i32
      %add3A_24 = arith.addi %add3A_23, %mul3A_22 : i32
      "tpu.region"() ({
        %run_scoped3A = tpu.sem_alloc : memref<!tpu.dma_semaphore, #tpu.memory_space<semaphore_mem>>
        %dma_start3A_57 = arith.constant 0 : i32
        %dma_start3A_58 = tpu.memref_slice %arg3[%add3A, %add3A_24, %dma_start3A_57] : memref<32x160x64xi32, #tpu.memory_space<hbm>> -> memref<1x40x64xi32, #tpu.memory_space<hbm>>
        %dma_start3A_59 = tpu.memref_squeeze %dma_start3A_58 : memref<1x40x64xi32, #tpu.memory_space<hbm>> -> memref<40x64xi32, #tpu.memory_space<hbm>>
        %dma_start3A_60 = arith.constant 0 : i32
        %dma_start3A_61 = tpu.memref_slice %arg3[%add3A, %add3A_24, %dma_start3A_60] : memref<32x160x64xi32, #tpu.memory_space<hbm>> -> memref<1x40x64xi32, #tpu.memory_space<hbm>>
        %dma_start3A_62 = tpu.memref_squeeze %dma_start3A_61 : memref<1x40x64xi32, #tpu.memory_space<hbm>> -> memref<40x64xi32, #tpu.memory_space<hbm>>
        tpu.enqueue_dma source(%dma_start3A_62 : memref<40x64xi32, #tpu.memory_space<hbm>>) target(%arg6 : memref<40x64xi32, #tpu.memory_space<vmem>>) target_semaphore(%run_scoped3A : memref<!tpu.dma_semaphore, #tpu.memory_space<semaphore_mem>>)
        %dma_wait3A = arith.constant 0 : i32
        %dma_wait3A_63 = tpu.memref_slice %arg3[%add3A, %add3A_24, %dma_wait3A] : memref<32x160x64xi32, #tpu.memory_space<hbm>> -> memref<1x40x64xi32, #tpu.memory_space<hbm>>
        %dma_wait3A_64 = tpu.memref_squeeze %dma_wait3A_63 : memref<1x40x64xi32, #tpu.memory_space<hbm>> -> memref<40x64xi32, #tpu.memory_space<hbm>>
        %dma_wait3A_65 = arith.constant 0 : i32
        %dma_wait3A_66 = tpu.memref_slice %arg3[%add3A, %add3A_24, %dma_wait3A_65] : memref<32x160x64xi32, #tpu.memory_space<hbm>> -> memref<1x40x64xi32, #tpu.memory_space<hbm>>
        %dma_wait3A_67 = tpu.memref_squeeze %dma_wait3A_66 : memref<1x40x64xi32, #tpu.memory_space<hbm>> -> memref<40x64xi32, #tpu.memory_space<hbm>>
        tpu.wait_dma2 semaphore(%run_scoped3A : memref<!tpu.dma_semaphore, #tpu.memory_space<semaphore_mem>>) src(%dma_wait3A_67 : memref<40x64xi32, #tpu.memory_space<hbm>>) dst(%arg6 : memref<40x64xi32, #tpu.memory_space<vmem>>)
        tpu.yield
      }) : () -> ()
      "tpu.region"() ({
        %run_scoped3A = tpu.sem_alloc : memref<!tpu.dma_semaphore, #tpu.memory_space<semaphore_mem>>
        %dma_start3A_57 = arith.constant 0 : i32
        %dma_start3A_58 = tpu.memref_slice %arg4[%add3A, %add3A_24, %dma_start3A_57] : memref<32x160x64xi32, #tpu.memory_space<hbm>> -> memref<1x40x64xi32, #tpu.memory_space<hbm>>
        %dma_start3A_59 = tpu.memref_squeeze %dma_start3A_58 : memref<1x40x64xi32, #tpu.memory_space<hbm>> -> memref<40x64xi32, #tpu.memory_space<hbm>>
        %dma_start3A_60 = arith.constant 0 : i32
        %dma_start3A_61 = tpu.memref_slice %arg4[%add3A, %add3A_24, %dma_start3A_60] : memref<32x160x64xi32, #tpu.memory_space<hbm>> -> memref<1x40x64xi32, #tpu.memory_space<hbm>>
        %dma_start3A_62 = tpu.memref_squeeze %dma_start3A_61 : memref<1x40x64xi32, #tpu.memory_space<hbm>> -> memref<40x64xi32, #tpu.memory_space<hbm>>
        tpu.enqueue_dma source(%dma_start3A_62 : memref<40x64xi32, #tpu.memory_space<hbm>>) target(%arg7 : memref<40x64xi32, #tpu.memory_space<vmem>>) target_semaphore(%run_scoped3A : memref<!tpu.dma_semaphore, #tpu.memory_space<semaphore_mem>>)
        %dma_wait3A = arith.constant 0 : i32
        %dma_wait3A_63 = tpu.memref_slice %arg4[%add3A, %add3A_24, %dma_wait3A] : memref<32x160x64xi32, #tpu.memory_space<hbm>> -> memref<1x40x64xi32, #tpu.memory_space<hbm>>
        %dma_wait3A_64 = tpu.memref_squeeze %dma_wait3A_63 : memref<1x40x64xi32, #tpu.memory_space<hbm>> -> memref<40x64xi32, #tpu.memory_space<hbm>>
        %dma_wait3A_65 = arith.constant 0 : i32
        %dma_wait3A_66 = tpu.memref_slice %arg4[%add3A, %add3A_24, %dma_wait3A_65] : memref<32x160x64xi32, #tpu.memory_space<hbm>> -> memref<1x40x64xi32, #tpu.memory_space<hbm>>
        %dma_wait3A_67 = tpu.memref_squeeze %dma_wait3A_66 : memref<1x40x64xi32, #tpu.memory_space<hbm>> -> memref<40x64xi32, #tpu.memory_space<hbm>>
        tpu.wait_dma2 semaphore(%run_scoped3A : memref<!tpu.dma_semaphore, #tpu.memory_space<semaphore_mem>>) src(%dma_wait3A_67 : memref<40x64xi32, #tpu.memory_space<hbm>>) dst(%arg7 : memref<40x64xi32, #tpu.memory_space<vmem>>)
        tpu.yield
      }) : () -> ()
      %dma_start3A = arith.constant 0 : i32
      %dma_start3A_25 = arith.constant 0 : i32
      %dma_start3A_26 = tpu.memref_slice %arg6[%dma_start3A, %dma_start3A_25] : memref<40x64xi32, #tpu.memory_space<vmem>> -> memref<1x64xi32, #tpu.memory_space<vmem>>
      %dma_start3A_27 = tpu.memref_squeeze %dma_start3A_26 : memref<1x64xi32, #tpu.memory_space<vmem>> -> memref<64xi32, #tpu.memory_space<vmem>>
      %dma_start3A_28 = arith.constant 0 : i32
      %dma_start3A_29 = arith.constant 0 : i32
      %dma_start3A_30 = tpu.memref_slice %arg2[%dma_start3A_28, %dma_start3A_29] : memref<10240x128xf32, #tpu.memory_space<hbm>> -> memref<10240x128xf32, #tpu.memory_space<hbm>>
      tpu.enqueue_indirect_dma source(%dma_start3A_30 : memref<10240x128xf32, #tpu.memory_space<hbm>>) target(%arg8 : memref<64x128xf32, #tpu.memory_space<vmem>>) offsets(%dma_start3A_27 : memref<64xi32, #tpu.memory_space<vmem>>) semaphore(%arg13 : memref<!tpu.dma_semaphore, #tpu.memory_space<semaphore_mem>>)
      %dma_start3A_31 = arith.constant 1 : i32
      %dma_start3A_32 = arith.constant 0 : i32
      %dma_start3A_33 = tpu.memref_slice %arg6[%dma_start3A_31, %dma_start3A_32] : memref<40x64xi32, #tpu.memory_space<vmem>> -> memref<1x64xi32, #tpu.memory_space<vmem>>
      %dma_start3A_34 = tpu.memref_squeeze %dma_start3A_33 : memref<1x64xi32, #tpu.memory_space<vmem>> -> memref<64xi32, #tpu.memory_space<vmem>>
      %dma_start3A_35 = arith.constant 0 : i32
      %dma_start3A_36 = arith.constant 0 : i32
      %dma_start3A_37 = tpu.memref_slice %arg2[%dma_start3A_35, %dma_start3A_36] : memref<10240x128xf32, #tpu.memory_space<hbm>> -> memref<10240x128xf32, #tpu.memory_space<hbm>>
      tpu.enqueue_indirect_dma source(%dma_start3A_37 : memref<10240x128xf32, #tpu.memory_space<hbm>>) target(%arg9 : memref<64x128xf32, #tpu.memory_space<vmem>>) offsets(%dma_start3A_34 : memref<64xi32, #tpu.memory_space<vmem>>) semaphore(%arg14 : memref<!tpu.dma_semaphore, #tpu.memory_space<semaphore_mem>>)
      %dma_start3A_38 = arith.constant 2 : i32
      %dma_start3A_39 = arith.constant 0 : i32
      %dma_start3A_40 = tpu.memref_slice %arg6[%dma_start3A_38, %dma_start3A_39] : memref<40x64xi32, #tpu.memory_space<vmem>> -> memref<1x64xi32, #tpu.memory_space<vmem>>
      %dma_start3A_41 = tpu.memref_squeeze %dma_start3A_40 : memref<1x64xi32, #tpu.memory_space<vmem>> -> memref<64xi32, #tpu.memory_space<vmem>>
      %dma_start3A_42 = arith.constant 0 : i32
      %dma_start3A_43 = arith.constant 0 : i32
      %dma_start3A_44 = tpu.memref_slice %arg2[%dma_start3A_42, %dma_start3A_43] : memref<10240x128xf32, #tpu.memory_space<hbm>> -> memref<10240x128xf32, #tpu.memory_space<hbm>>
      tpu.enqueue_indirect_dma source(%dma_start3A_44 : memref<10240x128xf32, #tpu.memory_space<hbm>>) target(%arg10 : memref<64x128xf32, #tpu.memory_space<vmem>>) offsets(%dma_start3A_41 : memref<64xi32, #tpu.memory_space<vmem>>) semaphore(%arg15 : memref<!tpu.dma_semaphore, #tpu.memory_space<semaphore_mem>>)
      %dma_start3A_45 = arith.constant 3 : i32
      %dma_start3A_46 = arith.constant 0 : i32
      %dma_start3A_47 = tpu.memref_slice %arg6[%dma_start3A_45, %dma_start3A_46] : memref<40x64xi32, #tpu.memory_space<vmem>> -> memref<1x64xi32, #tpu.memory_space<vmem>>
      %dma_start3A_48 = tpu.memref_squeeze %dma_start3A_47 : memref<1x64xi32, #tpu.memory_space<vmem>> -> memref<64xi32, #tpu.memory_space<vmem>>
      %dma_start3A_49 = arith.constant 0 : i32
      %dma_start3A_50 = arith.constant 0 : i32
      %dma_start3A_51 = tpu.memref_slice %arg2[%dma_start3A_49, %dma_start3A_50] : memref<10240x128xf32, #tpu.memory_space<hbm>> -> memref<10240x128xf32, #tpu.memory_space<hbm>>
      tpu.enqueue_indirect_dma source(%dma_start3A_51 : memref<10240x128xf32, #tpu.memory_space<hbm>>) target(%arg11 : memref<64x128xf32, #tpu.memory_space<vmem>>) offsets(%dma_start3A_48 : memref<64xi32, #tpu.memory_space<vmem>>) semaphore(%arg16 : memref<!tpu.dma_semaphore, #tpu.memory_space<semaphore_mem>>)
      %scan3A_52 = arith.constant 0 : i32
      %scan3A_53 = arith.constant 10 : i32
      %scan3A_54 = arith.addi %scan3A_52, %scan3A_53 : i32
      %scan3A_55 = arith.constant 1 : i32
      scf.for %scan3A_57 = %scan3A_52 to %scan3A_54 step %scan3A_55  : i32 {
        %mul3A_58 = arith.constant 4 : i32
        %mul3A_59 = arith.muli %scan3A_57, %mul3A_58 : i32
        %add3A_60 = arith.constant 0 : i32
        %add3A_61 = arith.addi %add3A_60, %mul3A_59 : i32
        %add3A_62 = arith.constant 0 : i32
        %add3A_63 = arith.addi %add3A_61, %add3A_62 : i32
        %dma_wait3A = arith.constant 0 : i32
        %dma_wait3A_64 = tpu.memref_slice %arg6[%add3A_63, %dma_wait3A] : memref<40x64xi32, #tpu.memory_space<vmem>> -> memref<1x64xi32, #tpu.memory_space<vmem>>
        %dma_wait3A_65 = tpu.memref_squeeze %dma_wait3A_64 : memref<1x64xi32, #tpu.memory_space<vmem>> -> memref<64xi32, #tpu.memory_space<vmem>>
        %dma_wait3A_66 = arith.constant 0 : i32
        %dma_wait3A_67 = arith.constant 0 : i32
        %dma_wait3A_68 = tpu.memref_slice %arg2[%dma_wait3A_66, %dma_wait3A_67] : memref<10240x128xf32, #tpu.memory_space<hbm>> -> memref<10240x128xf32, #tpu.memory_space<hbm>>
        tpu.wait_indirect_dma semaphore(%arg13 : memref<!tpu.dma_semaphore, #tpu.memory_space<semaphore_mem>>) src(%dma_wait3A_68 : memref<10240x128xf32, #tpu.memory_space<hbm>>) dst(%arg8 : memref<64x128xf32, #tpu.memory_space<vmem>>)
        %add3A_69 = arith.constant 0 : i32
        %add3A_70 = arith.addi %add3A_61, %add3A_69 : i32
        "tpu.region"() ({
          %run_scoped3A = tpu.sem_alloc : memref<!tpu.dma_semaphore, #tpu.memory_space<semaphore_mem>>
          %dma_start3A_134 = arith.constant 0 : i32
          %dma_start3A_135 = tpu.memref_slice %arg7[%add3A_70, %dma_start3A_134] : memref<40x64xi32, #tpu.memory_space<vmem>> -> memref<1x64xi32, #tpu.memory_space<vmem>>
          %dma_start3A_136 = tpu.memref_squeeze %dma_start3A_135 : memref<1x64xi32, #tpu.memory_space<vmem>> -> memref<64xi32, #tpu.memory_space<vmem>>
          %dma_start3A_137 = arith.constant 0 : i32
          %dma_start3A_138 = arith.constant 0 : i32
          %dma_start3A_139 = tpu.memref_slice %arg12[%dma_start3A_137, %dma_start3A_138] : memref<10240x128xf32, #tpu.memory_space<vmem_shared>> -> memref<10240x128xf32, #tpu.memory_space<vmem_shared>>
          tpu.enqueue_indirect_dma source(%arg8 : memref<64x128xf32, #tpu.memory_space<vmem>>) target(%dma_start3A_139 : memref<10240x128xf32, #tpu.memory_space<vmem_shared>>) offsets(%dma_start3A_136 : memref<64xi32, #tpu.memory_space<vmem>>) semaphore(%run_scoped3A : memref<!tpu.dma_semaphore, #tpu.memory_space<semaphore_mem>>) {add = true}
          %dma_wait3A_140 = arith.constant 0 : i32
          %dma_wait3A_141 = tpu.memref_slice %arg7[%add3A_70, %dma_wait3A_140] : memref<40x64xi32, #tpu.memory_space<vmem>> -> memref<1x64xi32, #tpu.memory_space<vmem>>
          %dma_wait3A_142 = tpu.memref_squeeze %dma_wait3A_141 : memref<1x64xi32, #tpu.memory_space<vmem>> -> memref<64xi32, #tpu.memory_space<vmem>>
          %dma_wait3A_143 = arith.constant 0 : i32
          %dma_wait3A_144 = arith.constant 0 : i32
          %dma_wait3A_145 = tpu.memref_slice %arg12[%dma_wait3A_143, %dma_wait3A_144] : memref<10240x128xf32, #tpu.memory_space<vmem_shared>> -> memref<10240x128xf32, #tpu.memory_space<vmem_shared>>
          tpu.wait_indirect_dma semaphore(%run_scoped3A : memref<!tpu.dma_semaphore, #tpu.memory_space<semaphore_mem>>) src(%arg8 : memref<64x128xf32, #tpu.memory_space<vmem>>) dst(%dma_wait3A_145 : memref<10240x128xf32, #tpu.memory_space<vmem_shared>>)
          tpu.yield
        }) : () -> ()
        %add3A_71 = arith.constant 0 : i32
        %add3A_72 = arith.addi %add3A_61, %add3A_71 : i32
        %add3A_73 = arith.constant 4 : i32
        %add3A_74 = arith.addi %add3A_72, %add3A_73 : i32
        %lt3A = arith.constant 40 : i32
        %lt3A_75 = arith.cmpi slt, %add3A_74, %lt3A : i32
        %convert_element_type3A = arith.extui %lt3A_75 : i1 to i32
        %cond3A = arith.constant 0 : i32
        %cond3A_76 = arith.cmpi ne, %convert_element_type3A, %cond3A : i32
        scf.if %cond3A_76 {
          %add3A_134 = arith.constant 0 : i32
          %add3A_135 = arith.addi %add3A_61, %add3A_134 : i32
          %add3A_136 = arith.constant 4 : i32
          %add3A_137 = arith.addi %add3A_135, %add3A_136 : i32
          %dma_start3A_138 = arith.constant 0 : i32
          %dma_start3A_139 = tpu.memref_slice %arg6[%add3A_137, %dma_start3A_138] : memref<40x64xi32, #tpu.memory_space<vmem>> -> memref<1x64xi32, #tpu.memory_space<vmem>>
          %dma_start3A_140 = tpu.memref_squeeze %dma_start3A_139 : memref<1x64xi32, #tpu.memory_space<vmem>> -> memref<64xi32, #tpu.memory_space<vmem>>
          %dma_start3A_141 = arith.constant 0 : i32
          %dma_start3A_142 = arith.constant 0 : i32
          %dma_start3A_143 = tpu.memref_slice %arg2[%dma_start3A_141, %dma_start3A_142] : memref<10240x128xf32, #tpu.memory_space<hbm>> -> memref<10240x128xf32, #tpu.memory_space<hbm>>
          tpu.enqueue_indirect_dma source(%dma_start3A_143 : memref<10240x128xf32, #tpu.memory_space<hbm>>) target(%arg8 : memref<64x128xf32, #tpu.memory_space<vmem>>) offsets(%dma_start3A_140 : memref<64xi32, #tpu.memory_space<vmem>>) semaphore(%arg13 : memref<!tpu.dma_semaphore, #tpu.memory_space<semaphore_mem>>)
        } else {
        }
        %add3A_77 = arith.constant 1 : i32
        %add3A_78 = arith.addi %add3A_61, %add3A_77 : i32
        %dma_wait3A_79 = arith.constant 0 : i32
        %dma_wait3A_80 = tpu.memref_slice %arg6[%add3A_78, %dma_wait3A_79] : memref<40x64xi32, #tpu.memory_space<vmem>> -> memref<1x64xi32, #tpu.memory_space<vmem>>
        %dma_wait3A_81 = tpu.memref_squeeze %dma_wait3A_80 : memref<1x64xi32, #tpu.memory_space<vmem>> -> memref<64xi32, #tpu.memory_space<vmem>>
        %dma_wait3A_82 = arith.constant 0 : i32
        %dma_wait3A_83 = arith.constant 0 : i32
        %dma_wait3A_84 = tpu.memref_slice %arg2[%dma_wait3A_82, %dma_wait3A_83] : memref<10240x128xf32, #tpu.memory_space<hbm>> -> memref<10240x128xf32, #tpu.memory_space<hbm>>
        tpu.wait_indirect_dma semaphore(%arg14 : memref<!tpu.dma_semaphore, #tpu.memory_space<semaphore_mem>>) src(%dma_wait3A_84 : memref<10240x128xf32, #tpu.memory_space<hbm>>) dst(%arg9 : memref<64x128xf32, #tpu.memory_space<vmem>>)
        %add3A_85 = arith.constant 1 : i32
        %add3A_86 = arith.addi %add3A_61, %add3A_85 : i32
        "tpu.region"() ({
          %run_scoped3A = tpu.sem_alloc : memref<!tpu.dma_semaphore, #tpu.memory_space<semaphore_mem>>
          %dma_start3A_134 = arith.constant 0 : i32
          %dma_start3A_135 = tpu.memref_slice %arg7[%add3A_86, %dma_start3A_134] : memref<40x64xi32, #tpu.memory_space<vmem>> -> memref<1x64xi32, #tpu.memory_space<vmem>>
          %dma_start3A_136 = tpu.memref_squeeze %dma_start3A_135 : memref<1x64xi32, #tpu.memory_space<vmem>> -> memref<64xi32, #tpu.memory_space<vmem>>
          %dma_start3A_137 = arith.constant 0 : i32
          %dma_start3A_138 = arith.constant 0 : i32
          %dma_start3A_139 = tpu.memref_slice %arg12[%dma_start3A_137, %dma_start3A_138] : memref<10240x128xf32, #tpu.memory_space<vmem_shared>> -> memref<10240x128xf32, #tpu.memory_space<vmem_shared>>
          tpu.enqueue_indirect_dma source(%arg9 : memref<64x128xf32, #tpu.memory_space<vmem>>) target(%dma_start3A_139 : memref<10240x128xf32, #tpu.memory_space<vmem_shared>>) offsets(%dma_start3A_136 : memref<64xi32, #tpu.memory_space<vmem>>) semaphore(%run_scoped3A : memref<!tpu.dma_semaphore, #tpu.memory_space<semaphore_mem>>) {add = true}
          %dma_wait3A_140 = arith.constant 0 : i32
          %dma_wait3A_141 = tpu.memref_slice %arg7[%add3A_86, %dma_wait3A_140] : memref<40x64xi32, #tpu.memory_space<vmem>> -> memref<1x64xi32, #tpu.memory_space<vmem>>
          %dma_wait3A_142 = tpu.memref_squeeze %dma_wait3A_141 : memref<1x64xi32, #tpu.memory_space<vmem>> -> memref<64xi32, #tpu.memory_space<vmem>>
          %dma_wait3A_143 = arith.constant 0 : i32
          %dma_wait3A_144 = arith.constant 0 : i32
          %dma_wait3A_145 = tpu.memref_slice %arg12[%dma_wait3A_143, %dma_wait3A_144] : memref<10240x128xf32, #tpu.memory_space<vmem_shared>> -> memref<10240x128xf32, #tpu.memory_space<vmem_shared>>
          tpu.wait_indirect_dma semaphore(%run_scoped3A : memref<!tpu.dma_semaphore, #tpu.memory_space<semaphore_mem>>) src(%arg9 : memref<64x128xf32, #tpu.memory_space<vmem>>) dst(%dma_wait3A_145 : memref<10240x128xf32, #tpu.memory_space<vmem_shared>>)
          tpu.yield
        }) : () -> ()
        %add3A_87 = arith.constant 1 : i32
        %add3A_88 = arith.addi %add3A_61, %add3A_87 : i32
        %add3A_89 = arith.constant 4 : i32
        %add3A_90 = arith.addi %add3A_88, %add3A_89 : i32
        %lt3A_91 = arith.constant 40 : i32
        %lt3A_92 = arith.cmpi slt, %add3A_90, %lt3A_91 : i32
        %convert_element_type3A_93 = arith.extui %lt3A_92 : i1 to i32
        %cond3A_94 = arith.constant 0 : i32
        %cond3A_95 = arith.cmpi ne, %convert_element_type3A_93, %cond3A_94 : i32
        scf.if %cond3A_95 {
          %add3A_134 = arith.constant 1 : i32
          %add3A_135 = arith.addi %add3A_61, %add3A_134 : i32
          %add3A_136 = arith.constant 4 : i32
          %add3A_137 = arith.addi %add3A_135, %add3A_136 : i32
          %dma_start3A_138 = arith.constant 0 : i32
          %dma_start3A_139 = tpu.memref_slice %arg6[%add3A_137, %dma_start3A_138] : memref<40x64xi32, #tpu.memory_space<vmem>> -> memref<1x64xi32, #tpu.memory_space<vmem>>
          %dma_start3A_140 = tpu.memref_squeeze %dma_start3A_139 : memref<1x64xi32, #tpu.memory_space<vmem>> -> memref<64xi32, #tpu.memory_space<vmem>>
          %dma_start3A_141 = arith.constant 0 : i32
          %dma_start3A_142 = arith.constant 0 : i32
          %dma_start3A_143 = tpu.memref_slice %arg2[%dma_start3A_141, %dma_start3A_142] : memref<10240x128xf32, #tpu.memory_space<hbm>> -> memref<10240x128xf32, #tpu.memory_space<hbm>>
          tpu.enqueue_indirect_dma source(%dma_start3A_143 : memref<10240x128xf32, #tpu.memory_space<hbm>>) target(%arg9 : memref<64x128xf32, #tpu.memory_space<vmem>>) offsets(%dma_start3A_140 : memref<64xi32, #tpu.memory_space<vmem>>) semaphore(%arg14 : memref<!tpu.dma_semaphore, #tpu.memory_space<semaphore_mem>>)
        } else {
        }
        %add3A_96 = arith.constant 2 : i32
        %add3A_97 = arith.addi %add3A_61, %add3A_96 : i32
        %dma_wait3A_98 = arith.constant 0 : i32
        %dma_wait3A_99 = tpu.memref_slice %arg6[%add3A_97, %dma_wait3A_98] : memref<40x64xi32, #tpu.memory_space<vmem>> -> memref<1x64xi32, #tpu.memory_space<vmem>>
        %dma_wait3A_100 = tpu.memref_squeeze %dma_wait3A_99 : memref<1x64xi32, #tpu.memory_space<vmem>> -> memref<64xi32, #tpu.memory_space<vmem>>
        %dma_wait3A_101 = arith.constant 0 : i32
        %dma_wait3A_102 = arith.constant 0 : i32
        %dma_wait3A_103 = tpu.memref_slice %arg2[%dma_wait3A_101, %dma_wait3A_102] : memref<10240x128xf32, #tpu.memory_space<hbm>> -> memref<10240x128xf32, #tpu.memory_space<hbm>>
        tpu.wait_indirect_dma semaphore(%arg15 : memref<!tpu.dma_semaphore, #tpu.memory_space<semaphore_mem>>) src(%dma_wait3A_103 : memref<10240x128xf32, #tpu.memory_space<hbm>>) dst(%arg10 : memref<64x128xf32, #tpu.memory_space<vmem>>)
        %add3A_104 = arith.constant 2 : i32
        %add3A_105 = arith.addi %add3A_61, %add3A_104 : i32
        "tpu.region"() ({
          %run_scoped3A = tpu.sem_alloc : memref<!tpu.dma_semaphore, #tpu.memory_space<semaphore_mem>>
          %dma_start3A_134 = arith.constant 0 : i32
          %dma_start3A_135 = tpu.memref_slice %arg7[%add3A_105, %dma_start3A_134] : memref<40x64xi32, #tpu.memory_space<vmem>> -> memref<1x64xi32, #tpu.memory_space<vmem>>
          %dma_start3A_136 = tpu.memref_squeeze %dma_start3A_135 : memref<1x64xi32, #tpu.memory_space<vmem>> -> memref<64xi32, #tpu.memory_space<vmem>>
          %dma_start3A_137 = arith.constant 0 : i32
          %dma_start3A_138 = arith.constant 0 : i32
          %dma_start3A_139 = tpu.memref_slice %arg12[%dma_start3A_137, %dma_start3A_138] : memref<10240x128xf32, #tpu.memory_space<vmem_shared>> -> memref<10240x128xf32, #tpu.memory_space<vmem_shared>>
          tpu.enqueue_indirect_dma source(%arg10 : memref<64x128xf32, #tpu.memory_space<vmem>>) target(%dma_start3A_139 : memref<10240x128xf32, #tpu.memory_space<vmem_shared>>) offsets(%dma_start3A_136 : memref<64xi32, #tpu.memory_space<vmem>>) semaphore(%run_scoped3A : memref<!tpu.dma_semaphore, #tpu.memory_space<semaphore_mem>>) {add = true}
          %dma_wait3A_140 = arith.constant 0 : i32
          %dma_wait3A_141 = tpu.memref_slice %arg7[%add3A_105, %dma_wait3A_140] : memref<40x64xi32, #tpu.memory_space<vmem>> -> memref<1x64xi32, #tpu.memory_space<vmem>>
          %dma_wait3A_142 = tpu.memref_squeeze %dma_wait3A_141 : memref<1x64xi32, #tpu.memory_space<vmem>> -> memref<64xi32, #tpu.memory_space<vmem>>
          %dma_wait3A_143 = arith.constant 0 : i32
          %dma_wait3A_144 = arith.constant 0 : i32
          %dma_wait3A_145 = tpu.memref_slice %arg12[%dma_wait3A_143, %dma_wait3A_144] : memref<10240x128xf32, #tpu.memory_space<vmem_shared>> -> memref<10240x128xf32, #tpu.memory_space<vmem_shared>>
          tpu.wait_indirect_dma semaphore(%run_scoped3A : memref<!tpu.dma_semaphore, #tpu.memory_space<semaphore_mem>>) src(%arg10 : memref<64x128xf32, #tpu.memory_space<vmem>>) dst(%dma_wait3A_145 : memref<10240x128xf32, #tpu.memory_space<vmem_shared>>)
          tpu.yield
        }) : () -> ()
        %add3A_106 = arith.constant 2 : i32
        %add3A_107 = arith.addi %add3A_61, %add3A_106 : i32
        %add3A_108 = arith.constant 4 : i32
        %add3A_109 = arith.addi %add3A_107, %add3A_108 : i32
        %lt3A_110 = arith.constant 40 : i32
        %lt3A_111 = arith.cmpi slt, %add3A_109, %lt3A_110 : i32
        %convert_element_type3A_112 = arith.extui %lt3A_111 : i1 to i32
        %cond3A_113 = arith.constant 0 : i32
        %cond3A_114 = arith.cmpi ne, %convert_element_type3A_112, %cond3A_113 : i32
        scf.if %cond3A_114 {
          %add3A_134 = arith.constant 2 : i32
          %add3A_135 = arith.addi %add3A_61, %add3A_134 : i32
          %add3A_136 = arith.constant 4 : i32
          %add3A_137 = arith.addi %add3A_135, %add3A_136 : i32
          %dma_start3A_138 = arith.constant 0 : i32
          %dma_start3A_139 = tpu.memref_slice %arg6[%add3A_137, %dma_start3A_138] : memref<40x64xi32, #tpu.memory_space<vmem>> -> memref<1x64xi32, #tpu.memory_space<vmem>>
          %dma_start3A_140 = tpu.memref_squeeze %dma_start3A_139 : memref<1x64xi32, #tpu.memory_space<vmem>> -> memref<64xi32, #tpu.memory_space<vmem>>
          %dma_start3A_141 = arith.constant 0 : i32
          %dma_start3A_142 = arith.constant 0 : i32
          %dma_start3A_143 = tpu.memref_slice %arg2[%dma_start3A_141, %dma_start3A_142] : memref<10240x128xf32, #tpu.memory_space<hbm>> -> memref<10240x128xf32, #tpu.memory_space<hbm>>
          tpu.enqueue_indirect_dma source(%dma_start3A_143 : memref<10240x128xf32, #tpu.memory_space<hbm>>) target(%arg10 : memref<64x128xf32, #tpu.memory_space<vmem>>) offsets(%dma_start3A_140 : memref<64xi32, #tpu.memory_space<vmem>>) semaphore(%arg15 : memref<!tpu.dma_semaphore, #tpu.memory_space<semaphore_mem>>)
        } else {
        }
        %add3A_115 = arith.constant 3 : i32
        %add3A_116 = arith.addi %add3A_61, %add3A_115 : i32
        %dma_wait3A_117 = arith.constant 0 : i32
        %dma_wait3A_118 = tpu.memref_slice %arg6[%add3A_116, %dma_wait3A_117] : memref<40x64xi32, #tpu.memory_space<vmem>> -> memref<1x64xi32, #tpu.memory_space<vmem>>
        %dma_wait3A_119 = tpu.memref_squeeze %dma_wait3A_118 : memref<1x64xi32, #tpu.memory_space<vmem>> -> memref<64xi32, #tpu.memory_space<vmem>>
        %dma_wait3A_120 = arith.constant 0 : i32
        %dma_wait3A_121 = arith.constant 0 : i32
        %dma_wait3A_122 = tpu.memref_slice %arg2[%dma_wait3A_120, %dma_wait3A_121] : memref<10240x128xf32, #tpu.memory_space<hbm>> -> memref<10240x128xf32, #tpu.memory_space<hbm>>
        tpu.wait_indirect_dma semaphore(%arg16 : memref<!tpu.dma_semaphore, #tpu.memory_space<semaphore_mem>>) src(%dma_wait3A_122 : memref<10240x128xf32, #tpu.memory_space<hbm>>) dst(%arg11 : memref<64x128xf32, #tpu.memory_space<vmem>>)
        %add3A_123 = arith.constant 3 : i32
        %add3A_124 = arith.addi %add3A_61, %add3A_123 : i32
        "tpu.region"() ({
          %run_scoped3A = tpu.sem_alloc : memref<!tpu.dma_semaphore, #tpu.memory_space<semaphore_mem>>
          %dma_start3A_134 = arith.constant 0 : i32
          %dma_start3A_135 = tpu.memref_slice %arg7[%add3A_124, %dma_start3A_134] : memref<40x64xi32, #tpu.memory_space<vmem>> -> memref<1x64xi32, #tpu.memory_space<vmem>>
          %dma_start3A_136 = tpu.memref_squeeze %dma_start3A_135 : memref<1x64xi32, #tpu.memory_space<vmem>> -> memref<64xi32, #tpu.memory_space<vmem>>
          %dma_start3A_137 = arith.constant 0 : i32
          %dma_start3A_138 = arith.constant 0 : i32
          %dma_start3A_139 = tpu.memref_slice %arg12[%dma_start3A_137, %dma_start3A_138] : memref<10240x128xf32, #tpu.memory_space<vmem_shared>> -> memref<10240x128xf32, #tpu.memory_space<vmem_shared>>
          tpu.enqueue_indirect_dma source(%arg11 : memref<64x128xf32, #tpu.memory_space<vmem>>) target(%dma_start3A_139 : memref<10240x128xf32, #tpu.memory_space<vmem_shared>>) offsets(%dma_start3A_136 : memref<64xi32, #tpu.memory_space<vmem>>) semaphore(%run_scoped3A : memref<!tpu.dma_semaphore, #tpu.memory_space<semaphore_mem>>) {add = true}
          %dma_wait3A_140 = arith.constant 0 : i32
          %dma_wait3A_141 = tpu.memref_slice %arg7[%add3A_124, %dma_wait3A_140] : memref<40x64xi32, #tpu.memory_space<vmem>> -> memref<1x64xi32, #tpu.memory_space<vmem>>
          %dma_wait3A_142 = tpu.memref_squeeze %dma_wait3A_141 : memref<1x64xi32, #tpu.memory_space<vmem>> -> memref<64xi32, #tpu.memory_space<vmem>>
          %dma_wait3A_143 = arith.constant 0 : i32
          %dma_wait3A_144 = arith.constant 0 : i32
          %dma_wait3A_145 = tpu.memref_slice %arg12[%dma_wait3A_143, %dma_wait3A_144] : memref<10240x128xf32, #tpu.memory_space<vmem_shared>> -> memref<10240x128xf32, #tpu.memory_space<vmem_shared>>
          tpu.wait_indirect_dma semaphore(%run_scoped3A : memref<!tpu.dma_semaphore, #tpu.memory_space<semaphore_mem>>) src(%arg11 : memref<64x128xf32, #tpu.memory_space<vmem>>) dst(%dma_wait3A_145 : memref<10240x128xf32, #tpu.memory_space<vmem_shared>>)
          tpu.yield
        }) : () -> ()
        %add3A_125 = arith.constant 3 : i32
        %add3A_126 = arith.addi %add3A_61, %add3A_125 : i32
        %add3A_127 = arith.constant 4 : i32
        %add3A_128 = arith.addi %add3A_126, %add3A_127 : i32
        %lt3A_129 = arith.constant 40 : i32
        %lt3A_130 = arith.cmpi slt, %add3A_128, %lt3A_129 : i32
        %convert_element_type3A_131 = arith.extui %lt3A_130 : i1 to i32
        %cond3A_132 = arith.constant 0 : i32
        %cond3A_133 = arith.cmpi ne, %convert_element_type3A_131, %cond3A_132 : i32
        scf.if %cond3A_133 {
          %add3A_134 = arith.constant 3 : i32
          %add3A_135 = arith.addi %add3A_61, %add3A_134 : i32
          %add3A_136 = arith.constant 4 : i32
          %add3A_137 = arith.addi %add3A_135, %add3A_136 : i32
          %dma_start3A_138 = arith.constant 0 : i32
          %dma_start3A_139 = tpu.memref_slice %arg6[%add3A_137, %dma_start3A_138] : memref<40x64xi32, #tpu.memory_space<vmem>> -> memref<1x64xi32, #tpu.memory_space<vmem>>
          %dma_start3A_140 = tpu.memref_squeeze %dma_start3A_139 : memref<1x64xi32, #tpu.memory_space<vmem>> -> memref<64xi32, #tpu.memory_space<vmem>>
          %dma_start3A_141 = arith.constant 0 : i32
          %dma_start3A_142 = arith.constant 0 : i32
          %dma_start3A_143 = tpu.memref_slice %arg2[%dma_start3A_141, %dma_start3A_142] : memref<10240x128xf32, #tpu.memory_space<hbm>> -> memref<10240x128xf32, #tpu.memory_space<hbm>>
          tpu.enqueue_indirect_dma source(%dma_start3A_143 : memref<10240x128xf32, #tpu.memory_space<hbm>>) target(%arg11 : memref<64x128xf32, #tpu.memory_space<vmem>>) offsets(%dma_start3A_140 : memref<64xi32, #tpu.memory_space<vmem>>) semaphore(%arg16 : memref<!tpu.dma_semaphore, #tpu.memory_space<semaphore_mem>>)
        } else {
        }
      }
      %scan3A_56 = arith.constant 10 : i32
    }
    %scan3A_14 = arith.constant 4 : i32
    %barrier3A_15 = arith.constant 0 : index
    tpu.barrier barrier_id(%barrier3A_15)
    %mul3A_16 = arith.constant 640 : i32
    %mul3A_17 = arith.muli %arg1, %mul3A_16 : i32
    %mul3A_18 = arith.constant 640 : i32
    %mul3A_19 = arith.muli %arg1, %mul3A_18 : i32
    "tpu.region"() ({
      %run_scoped3A = tpu.sem_alloc : memref<!tpu.dma_semaphore, #tpu.memory_space<semaphore_mem>>
      %dma_start3A = arith.constant 0 : i32
      %dma_start3A_20 = tpu.memref_slice %arg5[%arg0, %mul3A_19, %dma_start3A] : memref<2x10240x128xf32, #tpu.memory_space<hbm>> -> memref<1x640x128xf32, #tpu.memory_space<hbm>>
      %dma_start3A_21 = tpu.memref_squeeze %dma_start3A_20 : memref<1x640x128xf32, #tpu.memory_space<hbm>> -> memref<640x128xf32, #tpu.memory_space<hbm>>
      %dma_start3A_22 = arith.constant 0 : i32
      %dma_start3A_23 = tpu.memref_slice %arg12[%mul3A_17, %dma_start3A_22] : memref<10240x128xf32, #tpu.memory_space<vmem_shared>> -> memref<640x128xf32, #tpu.memory_space<vmem_shared>>
      tpu.enqueue_dma source(%dma_start3A_23 : memref<640x128xf32, #tpu.memory_space<vmem_shared>>) target(%dma_start3A_21 : memref<640x128xf32, #tpu.memory_space<hbm>>) target_semaphore(%run_scoped3A : memref<!tpu.dma_semaphore, #tpu.memory_space<semaphore_mem>>)
      %dma_wait3A = arith.constant 0 : i32
      %dma_wait3A_24 = tpu.memref_slice %arg5[%arg0, %mul3A_19, %dma_wait3A] : memref<2x10240x128xf32, #tpu.memory_space<hbm>> -> memref<1x640x128xf32, #tpu.memory_space<hbm>>
      %dma_wait3A_25 = tpu.memref_squeeze %dma_wait3A_24 : memref<1x640x128xf32, #tpu.memory_space<hbm>> -> memref<640x128xf32, #tpu.memory_space<hbm>>
      %dma_wait3A_26 = arith.constant 0 : i32
      %dma_wait3A_27 = tpu.memref_slice %arg12[%mul3A_17, %dma_wait3A_26] : memref<10240x128xf32, #tpu.memory_space<vmem_shared>> -> memref<640x128xf32, #tpu.memory_space<vmem_shared>>
      tpu.wait_dma2 semaphore(%run_scoped3A : memref<!tpu.dma_semaphore, #tpu.memory_space<semaphore_mem>>) src(%dma_wait3A_27 : memref<640x128xf32, #tpu.memory_space<vmem_shared>>) dst(%dma_wait3A_25 : memref<640x128xf32, #tpu.memory_space<hbm>>)
      tpu.yield
    }) : () -> ()
    return
  }
}

#map = affine_map<(d0, d1) -> (0, 0, 0)>
module attributes {stable_mosaic.version = 14 : i64} {
  func.func @_sc_degree(%arg0: i32, %arg1: i32, %arg2: memref<32x80x128xi32, #tpu.memory_space<hbm>>, %arg3: memref<2x80x128xf32, #tpu.memory_space<hbm>>, %arg4: memref<80x128xi32, #tpu.memory_space<vmem>>, %arg5: memref<80x128xf32, #tpu.memory_space<vmem>>, %arg6: memref<8x128xf32, #tpu.memory_space<vmem>>, %arg7: memref<80xi32, #tpu.memory_space<vmem>>, %arg8: memref<80x128xf32, #tpu.memory_space<vmem_shared>>) attributes {dimension_semantics = [#tpu.dimension_semantics<core_parallel>, #tpu.dimension_semantics<subcore_parallel>], iteration_bounds = array<i64: 2, 16>, scalar_prefetch = 0 : i64, scratch_operands = 5 : i64, tpu.core_type = #tpu.core_type<sc_vector_subcore>, window_params = [{transform_indices = #map}, {transform_indices = #map}]} {
    %mul3A = arith.constant 2 : i32
    %mul3A_0 = arith.muli %arg1, %mul3A : i32
    %add3A = arith.addi %mul3A_0, %arg0 : i32
    %iota3A = tpu.iota {dimensions = array<i32: 0>} : vector<16xi32>
    %scan3A = arith.constant 0 : i32
    %scan3A_1 = arith.constant 80 : i32
    %scan3A_2 = arith.addi %scan3A, %scan3A_1 : i32
    %scan3A_3 = arith.constant 1 : i32
    scf.for %scan3A_29 = %scan3A to %scan3A_2 step %scan3A_3  : i32 {
      %mul3A_30 = arith.constant 1 : i32
      %mul3A_31 = arith.muli %scan3A_29, %mul3A_30 : i32
      %add3A_32 = arith.constant 0 : i32
      %add3A_33 = arith.addi %add3A_32, %mul3A_31 : i32
      %scan3A_34 = arith.constant 0 : i32
      %scan3A_35 = arith.constant 8 : i32
      %scan3A_36 = arith.addi %scan3A_34, %scan3A_35 : i32
      %scan3A_37 = arith.constant 1 : i32
      scf.for %scan3A_39 = %scan3A_34 to %scan3A_36 step %scan3A_37  : i32 {
        %mul3A_40 = arith.constant 16 : i32
        %mul3A_41 = arith.muli %scan3A_39, %mul3A_40 : i32
        %add3A_42 = arith.constant 0 : i32
        %add3A_43 = arith.addi %add3A_42, %mul3A_41 : i32
        %broadcast_in_dim3A_44 = arith.constant 0.000000e+00 : f32
        %broadcast_in_dim3A_45 = vector.broadcast %broadcast_in_dim3A_44 : f32 to vector<16xf32>
        %swap3A = arith.index_cast %add3A_33 : i32 to index
        %swap3A_46 = arith.index_cast %add3A_43 : i32 to index
        %swap3A_47 = tpu.vector_load %arg5[%swap3A, %swap3A_46] {strides = array<i32>} : memref<80x128xf32, #tpu.memory_space<vmem>>, vector<16xf32>,
        tpu.vector_store %arg5[%swap3A, %swap3A_46], %broadcast_in_dim3A_45 {strides = array<i32>} : memref<80x128xf32, #tpu.memory_space<vmem>>, vector<16xf32>,
      }
      %scan3A_38 = arith.constant 8 : i32
    }
    %scan3A_4 = arith.constant 80 : i32
    %scan3A_5 = arith.constant 0 : i32
    %scan3A_6 = arith.constant 8 : i32
    %scan3A_7 = arith.addi %scan3A_5, %scan3A_6 : i32
    %scan3A_8 = arith.constant 1 : i32
    scf.for %scan3A_29 = %scan3A_5 to %scan3A_7 step %scan3A_8  : i32 {
      %mul3A_30 = arith.constant 1 : i32
      %mul3A_31 = arith.muli %scan3A_29, %mul3A_30 : i32
      %add3A_32 = arith.constant 0 : i32
      %add3A_33 = arith.addi %add3A_32, %mul3A_31 : i32
      %scan3A_34 = arith.constant 0 : i32
      %scan3A_35 = arith.constant 8 : i32
      %scan3A_36 = arith.addi %scan3A_34, %scan3A_35 : i32
      %scan3A_37 = arith.constant 1 : i32
      scf.for %scan3A_39 = %scan3A_34 to %scan3A_36 step %scan3A_37  : i32 {
        %mul3A_40 = arith.constant 16 : i32
        %mul3A_41 = arith.muli %scan3A_39, %mul3A_40 : i32
        %add3A_42 = arith.constant 0 : i32
        %add3A_43 = arith.addi %add3A_42, %mul3A_41 : i32
        %broadcast_in_dim3A_44 = arith.constant 0.000000e+00 : f32
        %broadcast_in_dim3A_45 = vector.broadcast %broadcast_in_dim3A_44 : f32 to vector<16xf32>
        %swap3A = arith.index_cast %add3A_33 : i32 to index
        %swap3A_46 = arith.index_cast %add3A_43 : i32 to index
        %swap3A_47 = tpu.vector_load %arg6[%swap3A, %swap3A_46] {strides = array<i32>} : memref<8x128xf32, #tpu.memory_space<vmem>>, vector<16xf32>,
        tpu.vector_store %arg6[%swap3A, %swap3A_46], %broadcast_in_dim3A_45 {strides = array<i32>} : memref<8x128xf32, #tpu.memory_space<vmem>>, vector<16xf32>,
      }
      %scan3A_38 = arith.constant 8 : i32
    }
    %scan3A_9 = arith.constant 8 : i32
    %scan3A_10 = arith.constant 0 : i32
    %scan3A_11 = arith.constant 5 : i32
    %scan3A_12 = arith.addi %scan3A_10, %scan3A_11 : i32
    %scan3A_13 = arith.constant 1 : i32
    scf.for %scan3A_29 = %scan3A_10 to %scan3A_12 step %scan3A_13  : i32 {
      %mul3A_30 = arith.constant 16 : i32
      %mul3A_31 = arith.muli %scan3A_29, %mul3A_30 : i32
      %add3A_32 = arith.constant 0 : i32
      %add3A_33 = arith.addi %add3A_32, %mul3A_31 : i32
      %add3A_34 = vector.broadcast %add3A_33 : i32 to vector<16xi32>
      %add3A_35 = arith.addi %iota3A, %add3A_34 : vector<16xi32>
      %swap3A = arith.index_cast %add3A_33 : i32 to index
      %swap3A_36 = tpu.vector_load %arg7[%swap3A] {strides = array<i32>} : memref<80xi32, #tpu.memory_space<vmem>>, vector<16xi32>,
      tpu.vector_store %arg7[%swap3A], %add3A_35 {strides = array<i32>} : memref<80xi32, #tpu.memory_space<vmem>>, vector<16xi32>,
    }
    %scan3A_14 = arith.constant 5 : i32
    %lt3A = arith.constant 10 : i32
    %lt3A_15 = arith.cmpi slt, %arg1, %lt3A : i32
    %convert_element_type3A = arith.extui %lt3A_15 : i1 to i32
    %cond3A = arith.constant 0 : i32
    %cond3A_16 = arith.cmpi ne, %convert_element_type3A, %cond3A : i32
    scf.if %cond3A_16 {
      %mul3A_29 = arith.constant 8 : i32
      %mul3A_30 = arith.muli %arg1, %mul3A_29 : i32
      "tpu.region"() ({
        %run_scoped3A = tpu.sem_alloc : memref<!tpu.dma_semaphore, #tpu.memory_space<semaphore_mem>>
        %dma_start3A = arith.constant 0 : i32
        %dma_start3A_31 = tpu.memref_slice %arg8[%mul3A_30, %dma_start3A] : memref<80x128xf32, #tpu.memory_space<vmem_shared>> -> memref<8x128xf32, #tpu.memory_space<vmem_shared>>
        %dma_start3A_32 = arith.constant 0 : i32
        %dma_start3A_33 = tpu.memref_slice %arg8[%mul3A_30, %dma_start3A_32] : memref<80x128xf32, #tpu.memory_space<vmem_shared>> -> memref<8x128xf32, #tpu.memory_space<vmem_shared>>
        tpu.enqueue_dma source(%arg6 : memref<8x128xf32, #tpu.memory_space<vmem>>) target(%dma_start3A_33 : memref<8x128xf32, #tpu.memory_space<vmem_shared>>) target_semaphore(%run_scoped3A : memref<!tpu.dma_semaphore, #tpu.memory_space<semaphore_mem>>)
        %dma_wait3A = arith.constant 0 : i32
        %dma_wait3A_34 = tpu.memref_slice %arg8[%mul3A_30, %dma_wait3A] : memref<80x128xf32, #tpu.memory_space<vmem_shared>> -> memref<8x128xf32, #tpu.memory_space<vmem_shared>>
        %dma_wait3A_35 = arith.constant 0 : i32
        %dma_wait3A_36 = tpu.memref_slice %arg8[%mul3A_30, %dma_wait3A_35] : memref<80x128xf32, #tpu.memory_space<vmem_shared>> -> memref<8x128xf32, #tpu.memory_space<vmem_shared>>
        tpu.wait_dma2 semaphore(%run_scoped3A : memref<!tpu.dma_semaphore, #tpu.memory_space<semaphore_mem>>) src(%arg6 : memref<8x128xf32, #tpu.memory_space<vmem>>) dst(%dma_wait3A_36 : memref<8x128xf32, #tpu.memory_space<vmem_shared>>)
        tpu.yield
      }) : () -> ()
    } else {
    }
    %barrier3A = arith.constant 0 : index
    tpu.barrier barrier_id(%barrier3A)
    "tpu.region"() ({
      %run_scoped3A = tpu.sem_alloc : memref<!tpu.dma_semaphore, #tpu.memory_space<semaphore_mem>>
      %dma_start3A = arith.constant 0 : i32
      %dma_start3A_29 = arith.constant 0 : i32
      %dma_start3A_30 = tpu.memref_slice %arg2[%add3A, %dma_start3A, %dma_start3A_29] : memref<32x80x128xi32, #tpu.memory_space<hbm>> -> memref<1x80x128xi32, #tpu.memory_space<hbm>>
      %dma_start3A_31 = tpu.memref_squeeze %dma_start3A_30 : memref<1x80x128xi32, #tpu.memory_space<hbm>> -> memref<80x128xi32, #tpu.memory_space<hbm>>
      %dma_start3A_32 = arith.constant 0 : i32
      %dma_start3A_33 = arith.constant 0 : i32
      %dma_start3A_34 = tpu.memref_slice %arg2[%add3A, %dma_start3A_32, %dma_start3A_33] : memref<32x80x128xi32, #tpu.memory_space<hbm>> -> memref<1x80x128xi32, #tpu.memory_space<hbm>>
      %dma_start3A_35 = tpu.memref_squeeze %dma_start3A_34 : memref<1x80x128xi32, #tpu.memory_space<hbm>> -> memref<80x128xi32, #tpu.memory_space<hbm>>
      tpu.enqueue_dma source(%dma_start3A_35 : memref<80x128xi32, #tpu.memory_space<hbm>>) target(%arg4 : memref<80x128xi32, #tpu.memory_space<vmem>>) target_semaphore(%run_scoped3A : memref<!tpu.dma_semaphore, #tpu.memory_space<semaphore_mem>>)
      %dma_wait3A = arith.constant 0 : i32
      %dma_wait3A_36 = arith.constant 0 : i32
      %dma_wait3A_37 = tpu.memref_slice %arg2[%add3A, %dma_wait3A, %dma_wait3A_36] : memref<32x80x128xi32, #tpu.memory_space<hbm>> -> memref<1x80x128xi32, #tpu.memory_space<hbm>>
      %dma_wait3A_38 = tpu.memref_squeeze %dma_wait3A_37 : memref<1x80x128xi32, #tpu.memory_space<hbm>> -> memref<80x128xi32, #tpu.memory_space<hbm>>
      %dma_wait3A_39 = arith.constant 0 : i32
      %dma_wait3A_40 = arith.constant 0 : i32
      %dma_wait3A_41 = tpu.memref_slice %arg2[%add3A, %dma_wait3A_39, %dma_wait3A_40] : memref<32x80x128xi32, #tpu.memory_space<hbm>> -> memref<1x80x128xi32, #tpu.memory_space<hbm>>
      %dma_wait3A_42 = tpu.memref_squeeze %dma_wait3A_41 : memref<1x80x128xi32, #tpu.memory_space<hbm>> -> memref<80x128xi32, #tpu.memory_space<hbm>>
      tpu.wait_dma2 semaphore(%run_scoped3A : memref<!tpu.dma_semaphore, #tpu.memory_space<semaphore_mem>>) src(%dma_wait3A_42 : memref<80x128xi32, #tpu.memory_space<hbm>>) dst(%arg4 : memref<80x128xi32, #tpu.memory_space<vmem>>)
      tpu.yield
    }) : () -> ()
    %broadcast_in_dim3A = arith.constant 1.000000e+00 : f32
    %broadcast_in_dim3A_17 = vector.broadcast %broadcast_in_dim3A : f32 to vector<16xf32>
    %scan3A_18 = arith.constant 0 : i32
    %scan3A_19 = arith.constant 80 : i32
    %scan3A_20 = arith.addi %scan3A_18, %scan3A_19 : i32
    %scan3A_21 = arith.constant 1 : i32
    scf.for %scan3A_29 = %scan3A_18 to %scan3A_20 step %scan3A_21  : i32 {
      %mul3A_30 = arith.constant 1 : i32
      %mul3A_31 = arith.muli %scan3A_29, %mul3A_30 : i32
      %add3A_32 = arith.constant 0 : i32
      %add3A_33 = arith.addi %add3A_32, %mul3A_31 : i32
      %scan3A_34 = arith.constant 0 : i32
      %scan3A_35 = arith.constant 8 : i32
      %scan3A_36 = arith.addi %scan3A_34, %scan3A_35 : i32
      %scan3A_37 = arith.constant 1 : i32
      scf.for %scan3A_39 = %scan3A_34 to %scan3A_36 step %scan3A_37  : i32 {
        %mul3A_40 = arith.constant 16 : i32
        %mul3A_41 = arith.muli %scan3A_39, %mul3A_40 : i32
        %add3A_42 = arith.constant 0 : i32
        %add3A_43 = arith.addi %add3A_42, %mul3A_41 : i32
        %get3A = arith.index_cast %add3A_33 : i32 to index
        %get3A_44 = arith.index_cast %add3A_43 : i32 to index
        %get3A_45 = tpu.vector_load %arg4[%get3A, %get3A_44] {strides = array<i32>} : memref<80x128xi32, #tpu.memory_space<vmem>>, vector<16xi32>,
        %shift_right_logical3A = arith.constant 7 : i32
        %shift_right_logical3A_46 = vector.broadcast %shift_right_logical3A : i32 to vector<16xi32>
        %shift_right_logical3A_47 = arith.shrui %get3A_45, %shift_right_logical3A_46 : vector<16xi32>
        %and3A = arith.constant 127 : i32
        %and3A_48 = vector.broadcast %and3A : i32 to vector<16xi32>
        %and3A_49 = arith.andi %get3A_45, %and3A_48 : vector<16xi32>
        tpu.vector_store_idx %arg5[%shift_right_logical3A_47, %and3A_49], %broadcast_in_dim3A_17 {add = true} : memref<80x128xf32, #tpu.memory_space<vmem>>[vector<16xi32>, vector<16xi32>], vector<16xf32>,
      }
      %scan3A_38 = arith.constant 8 : i32
    }
    %scan3A_22 = arith.constant 80 : i32
    "tpu.region"() ({
      %run_scoped3A = tpu.sem_alloc : memref<!tpu.dma_semaphore, #tpu.memory_space<semaphore_mem>>
      %dma_start3A = arith.constant 0 : i32
      %dma_start3A_29 = arith.constant 0 : i32
      %dma_start3A_30 = tpu.memref_slice %arg8[%dma_start3A, %dma_start3A_29] : memref<80x128xf32, #tpu.memory_space<vmem_shared>> -> memref<80x128xf32, #tpu.memory_space<vmem_shared>>
      tpu.enqueue_indirect_dma source(%arg5 : memref<80x128xf32, #tpu.memory_space<vmem>>) target(%dma_start3A_30 : memref<80x128xf32, #tpu.memory_space<vmem_shared>>) offsets(%arg7 : memref<80xi32, #tpu.memory_space<vmem>>) semaphore(%run_scoped3A : memref<!tpu.dma_semaphore, #tpu.memory_space<semaphore_mem>>) {add = true}
      %dma_wait3A = arith.constant 0 : i32
      %dma_wait3A_31 = arith.constant 0 : i32
      %dma_wait3A_32 = tpu.memref_slice %arg8[%dma_wait3A, %dma_wait3A_31] : memref<80x128xf32, #tpu.memory_space<vmem_shared>> -> memref<80x128xf32, #tpu.memory_space<vmem_shared>>
      tpu.wait_indirect_dma semaphore(%run_scoped3A : memref<!tpu.dma_semaphore, #tpu.memory_space<semaphore_mem>>) src(%arg5 : memref<80x128xf32, #tpu.memory_space<vmem>>) dst(%dma_wait3A_32 : memref<80x128xf32, #tpu.memory_space<vmem_shared>>)
      tpu.yield
    }) : () -> ()
    %barrier3A_23 = arith.constant 0 : index
    tpu.barrier barrier_id(%barrier3A_23)
    %lt3A_24 = arith.constant 10 : i32
    %lt3A_25 = arith.cmpi slt, %arg1, %lt3A_24 : i32
    %convert_element_type3A_26 = arith.extui %lt3A_25 : i1 to i32
    %cond3A_27 = arith.constant 0 : i32
    %cond3A_28 = arith.cmpi ne, %convert_element_type3A_26, %cond3A_27 : i32
    scf.if %cond3A_28 {
      %mul3A_29 = arith.constant 8 : i32
      %mul3A_30 = arith.muli %arg1, %mul3A_29 : i32
      %mul3A_31 = arith.constant 8 : i32
      %mul3A_32 = arith.muli %arg1, %mul3A_31 : i32
      "tpu.region"() ({
        %run_scoped3A = tpu.sem_alloc : memref<!tpu.dma_semaphore, #tpu.memory_space<semaphore_mem>>
        %dma_start3A = arith.constant 0 : i32
        %dma_start3A_33 = tpu.memref_slice %arg3[%arg0, %mul3A_32, %dma_start3A] : memref<2x80x128xf32, #tpu.memory_space<hbm>> -> memref<1x8x128xf32, #tpu.memory_space<hbm>>
        %dma_start3A_34 = tpu.memref_squeeze %dma_start3A_33 : memref<1x8x128xf32, #tpu.memory_space<hbm>> -> memref<8x128xf32, #tpu.memory_space<hbm>>
        %dma_start3A_35 = arith.constant 0 : i32
        %dma_start3A_36 = tpu.memref_slice %arg8[%mul3A_30, %dma_start3A_35] : memref<80x128xf32, #tpu.memory_space<vmem_shared>> -> memref<8x128xf32, #tpu.memory_space<vmem_shared>>
        tpu.enqueue_dma source(%dma_start3A_36 : memref<8x128xf32, #tpu.memory_space<vmem_shared>>) target(%dma_start3A_34 : memref<8x128xf32, #tpu.memory_space<hbm>>) target_semaphore(%run_scoped3A : memref<!tpu.dma_semaphore, #tpu.memory_space<semaphore_mem>>)
        %dma_wait3A = arith.constant 0 : i32
        %dma_wait3A_37 = tpu.memref_slice %arg3[%arg0, %mul3A_32, %dma_wait3A] : memref<2x80x128xf32, #tpu.memory_space<hbm>> -> memref<1x8x128xf32, #tpu.memory_space<hbm>>
        %dma_wait3A_38 = tpu.memref_squeeze %dma_wait3A_37 : memref<1x8x128xf32, #tpu.memory_space<hbm>> -> memref<8x128xf32, #tpu.memory_space<hbm>>
        %dma_wait3A_39 = arith.constant 0 : i32
        %dma_wait3A_40 = tpu.memref_slice %arg8[%mul3A_30, %dma_wait3A_39] : memref<80x128xf32, #tpu.memory_space<vmem_shared>> -> memref<8x128xf32, #tpu.memory_space<vmem_shared>>
        tpu.wait_dma2 semaphore(%run_scoped3A : memref<!tpu.dma_semaphore, #tpu.memory_space<semaphore_mem>>) src(%dma_wait3A_40 : memref<8x128xf32, #tpu.memory_space<vmem_shared>>) dst(%dma_wait3A_38 : memref<8x128xf32, #tpu.memory_space<hbm>>)
        tpu.yield
      }) : () -> ()
    } else {
    }
    return
  }
}

#map = affine_map<(d0, d1) -> (0, 0)>
#map1 = affine_map<(d0, d1) -> (0, 0, 0)>
module attributes {stable_mosaic.version = 14 : i64} {
  func.func @_sc_edge_pass(%arg0: i32, %arg1: i32, %arg2: memref<10240x128xf32, #tpu.memory_space<hbm>>, %arg3: memref<32x160x64xi32, #tpu.memory_space<hbm>>, %arg4: memref<32x160x64xi32, #tpu.memory_space<hbm>>, %arg5: memref<2x10240x128xf32, #tpu.memory_space<hbm>>, %arg6: memref<40x64xi32, #tpu.memory_space<vmem>>, %arg7: memref<40x64xi32, #tpu.memory_space<vmem>>, %arg8: memref<64x128xf32, #tpu.memory_space<vmem>>, %arg9: memref<64x128xf32, #tpu.memory_space<vmem>>, %arg10: memref<64x128xf32, #tpu.memory_space<vmem>>, %arg11: memref<64x128xf32, #tpu.memory_space<vmem>>, %arg12: memref<10240x128xf32, #tpu.memory_space<vmem_shared>>, %arg13: memref<!tpu.dma_semaphore, #tpu.memory_space<semaphore_mem>>, %arg14: memref<!tpu.dma_semaphore, #tpu.memory_space<semaphore_mem>>, %arg15: memref<!tpu.dma_semaphore, #tpu.memory_space<semaphore_mem>>, %arg16: memref<!tpu.dma_semaphore, #tpu.memory_space<semaphore_mem>>) attributes {dimension_semantics = [#tpu.dimension_semantics<core_parallel>, #tpu.dimension_semantics<subcore_parallel>], iteration_bounds = array<i64: 2, 16>, scalar_prefetch = 0 : i64, scratch_operands = 11 : i64, tpu.core_type = #tpu.core_type<sc_vector_subcore>, window_params = [{transform_indices = #map}, {transform_indices = #map1}, {transform_indices = #map1}, {transform_indices = #map1}]} {
    %mul3A = arith.constant 2 : i32
    %mul3A_0 = arith.muli %arg1, %mul3A : i32
    %add3A = arith.addi %mul3A_0, %arg0 : i32
    %scan3A = arith.constant 0 : i32
    %scan3A_1 = arith.constant 64 : i32
    %scan3A_2 = arith.addi %scan3A, %scan3A_1 : i32
    %scan3A_3 = arith.constant 1 : i32
    scf.for %scan3A_20 = %scan3A to %scan3A_2 step %scan3A_3  : i32 {
      %mul3A_21 = arith.constant 1 : i32
      %mul3A_22 = arith.muli %scan3A_20, %mul3A_21 : i32
      %add3A_23 = arith.constant 0 : i32
      %add3A_24 = arith.addi %add3A_23, %mul3A_22 : i32
      %scan3A_25 = arith.constant 0 : i32
      %scan3A_26 = arith.constant 8 : i32
      %scan3A_27 = arith.addi %scan3A_25, %scan3A_26 : i32
      %scan3A_28 = arith.constant 1 : i32
      scf.for %scan3A_30 = %scan3A_25 to %scan3A_27 step %scan3A_28  : i32 {
        %mul3A_31 = arith.constant 16 : i32
        %mul3A_32 = arith.muli %scan3A_30, %mul3A_31 : i32
        %add3A_33 = arith.constant 0 : i32
        %add3A_34 = arith.addi %add3A_33, %mul3A_32 : i32
        %broadcast_in_dim3A = arith.constant 0.000000e+00 : f32
        %broadcast_in_dim3A_35 = vector.broadcast %broadcast_in_dim3A : f32 to vector<16xf32>
        %swap3A = arith.index_cast %add3A_24 : i32 to index
        %swap3A_36 = arith.index_cast %add3A_34 : i32 to index
        %swap3A_37 = tpu.vector_load %arg8[%swap3A, %swap3A_36] {strides = array<i32>} : memref<64x128xf32, #tpu.memory_space<vmem>>, vector<1x16xf32>,
        %swap3A_38 = vector.shape_cast %swap3A_37 : vector<1x16xf32> to vector<16xf32>
        %swap3A_39 = vector.shape_cast %broadcast_in_dim3A_35 : vector<16xf32> to vector<1x16xf32>
        tpu.vector_store %arg8[%swap3A, %swap3A_36], %swap3A_39 {strides = array<i32>} : memref<64x128xf32, #tpu.memory_space<vmem>>, vector<1x16xf32>,
      }
      %scan3A_29 = arith.constant 8 : i32
    }
    %scan3A_4 = arith.constant 64 : i32
    %scan3A_5 = arith.constant 0 : i32
    %scan3A_6 = arith.constant 10 : i32
    %scan3A_7 = arith.addi %scan3A_5, %scan3A_6 : i32
    %scan3A_8 = arith.constant 1 : i32
    scf.for %scan3A_20 = %scan3A_5 to %scan3A_7 step %scan3A_8  : i32 {
      %mul3A_21 = arith.constant 1 : i32
      %mul3A_22 = arith.muli %scan3A_20, %mul3A_21 : i32
      %add3A_23 = arith.constant 0 : i32
      %add3A_24 = arith.addi %add3A_23, %mul3A_22 : i32
      %mul3A_25 = arith.constant 640 : i32
      %mul3A_26 = arith.muli %arg1, %mul3A_25 : i32
      %mul3A_27 = arith.constant 64 : i32
      %mul3A_28 = arith.muli %add3A_24, %mul3A_27 : i32
      %add3A_29 = arith.addi %mul3A_26, %mul3A_28 : i32
      "tpu.region"() ({
        %run_scoped3A = tpu.sem_alloc : memref<!tpu.dma_semaphore, #tpu.memory_space<semaphore_mem>>
        %dma_start3A = arith.constant 0 : i32
        %dma_start3A_30 = tpu.memref_slice %arg12[%add3A_29, %dma_start3A] : memref<10240x128xf32, #tpu.memory_space<vmem_shared>> -> memref<64x128xf32, #tpu.memory_space<vmem_shared>>
        %dma_start3A_31 = arith.constant 0 : i32
        %dma_start3A_32 = tpu.memref_slice %arg12[%add3A_29, %dma_start3A_31] : memref<10240x128xf32, #tpu.memory_space<vmem_shared>> -> memref<64x128xf32, #tpu.memory_space<vmem_shared>>
        tpu.enqueue_dma source(%arg8 : memref<64x128xf32, #tpu.memory_space<vmem>>) target(%dma_start3A_32 : memref<64x128xf32, #tpu.memory_space<vmem_shared>>) target_semaphore(%run_scoped3A : memref<!tpu.dma_semaphore, #tpu.memory_space<semaphore_mem>>)
        %dma_wait3A = arith.constant 0 : i32
        %dma_wait3A_33 = tpu.memref_slice %arg12[%add3A_29, %dma_wait3A] : memref<10240x128xf32, #tpu.memory_space<vmem_shared>> -> memref<64x128xf32, #tpu.memory_space<vmem_shared>>
        %dma_wait3A_34 = arith.constant 0 : i32
        %dma_wait3A_35 = tpu.memref_slice %arg12[%add3A_29, %dma_wait3A_34] : memref<10240x128xf32, #tpu.memory_space<vmem_shared>> -> memref<64x128xf32, #tpu.memory_space<vmem_shared>>
        tpu.wait_dma2 semaphore(%run_scoped3A : memref<!tpu.dma_semaphore, #tpu.memory_space<semaphore_mem>>) src(%arg8 : memref<64x128xf32, #tpu.memory_space<vmem>>) dst(%dma_wait3A_35 : memref<64x128xf32, #tpu.memory_space<vmem_shared>>)
        tpu.yield
      }) : () -> ()
    }
    %scan3A_9 = arith.constant 10 : i32
    %barrier3A = arith.constant 0 : index
    tpu.barrier barrier_id(%barrier3A)
    %scan3A_10 = arith.constant 0 : i32
    %scan3A_11 = arith.constant 4 : i32
    %scan3A_12 = arith.addi %scan3A_10, %scan3A_11 : i32
    %scan3A_13 = arith.constant 1 : i32
    scf.for %scan3A_20 = %scan3A_10 to %scan3A_12 step %scan3A_13  : i32 {
      %mul3A_21 = arith.constant 40 : i32
      %mul3A_22 = arith.muli %scan3A_20, %mul3A_21 : i32
      %add3A_23 = arith.constant 0 : i32
      %add3A_24 = arith.addi %add3A_23, %mul3A_22 : i32
      "tpu.region"() ({
        %run_scoped3A = tpu.sem_alloc : memref<!tpu.dma_semaphore, #tpu.memory_space<semaphore_mem>>
        %dma_start3A_57 = arith.constant 0 : i32
        %dma_start3A_58 = tpu.memref_slice %arg3[%add3A, %add3A_24, %dma_start3A_57] : memref<32x160x64xi32, #tpu.memory_space<hbm>> -> memref<1x40x64xi32, #tpu.memory_space<hbm>>
        %dma_start3A_59 = tpu.memref_squeeze %dma_start3A_58 : memref<1x40x64xi32, #tpu.memory_space<hbm>> -> memref<40x64xi32, #tpu.memory_space<hbm>>
        %dma_start3A_60 = arith.constant 0 : i32
        %dma_start3A_61 = tpu.memref_slice %arg3[%add3A, %add3A_24, %dma_start3A_60] : memref<32x160x64xi32, #tpu.memory_space<hbm>> -> memref<1x40x64xi32, #tpu.memory_space<hbm>>
        %dma_start3A_62 = tpu.memref_squeeze %dma_start3A_61 : memref<1x40x64xi32, #tpu.memory_space<hbm>> -> memref<40x64xi32, #tpu.memory_space<hbm>>
        tpu.enqueue_dma source(%dma_start3A_62 : memref<40x64xi32, #tpu.memory_space<hbm>>) target(%arg6 : memref<40x64xi32, #tpu.memory_space<vmem>>) target_semaphore(%run_scoped3A : memref<!tpu.dma_semaphore, #tpu.memory_space<semaphore_mem>>)
        %dma_wait3A = arith.constant 0 : i32
        %dma_wait3A_63 = tpu.memref_slice %arg3[%add3A, %add3A_24, %dma_wait3A] : memref<32x160x64xi32, #tpu.memory_space<hbm>> -> memref<1x40x64xi32, #tpu.memory_space<hbm>>
        %dma_wait3A_64 = tpu.memref_squeeze %dma_wait3A_63 : memref<1x40x64xi32, #tpu.memory_space<hbm>> -> memref<40x64xi32, #tpu.memory_space<hbm>>
        %dma_wait3A_65 = arith.constant 0 : i32
        %dma_wait3A_66 = tpu.memref_slice %arg3[%add3A, %add3A_24, %dma_wait3A_65] : memref<32x160x64xi32, #tpu.memory_space<hbm>> -> memref<1x40x64xi32, #tpu.memory_space<hbm>>
        %dma_wait3A_67 = tpu.memref_squeeze %dma_wait3A_66 : memref<1x40x64xi32, #tpu.memory_space<hbm>> -> memref<40x64xi32, #tpu.memory_space<hbm>>
        tpu.wait_dma2 semaphore(%run_scoped3A : memref<!tpu.dma_semaphore, #tpu.memory_space<semaphore_mem>>) src(%dma_wait3A_67 : memref<40x64xi32, #tpu.memory_space<hbm>>) dst(%arg6 : memref<40x64xi32, #tpu.memory_space<vmem>>)
        tpu.yield
      }) : () -> ()
      "tpu.region"() ({
        %run_scoped3A = tpu.sem_alloc : memref<!tpu.dma_semaphore, #tpu.memory_space<semaphore_mem>>
        %dma_start3A_57 = arith.constant 0 : i32
        %dma_start3A_58 = tpu.memref_slice %arg4[%add3A, %add3A_24, %dma_start3A_57] : memref<32x160x64xi32, #tpu.memory_space<hbm>> -> memref<1x40x64xi32, #tpu.memory_space<hbm>>
        %dma_start3A_59 = tpu.memref_squeeze %dma_start3A_58 : memref<1x40x64xi32, #tpu.memory_space<hbm>> -> memref<40x64xi32, #tpu.memory_space<hbm>>
        %dma_start3A_60 = arith.constant 0 : i32
        %dma_start3A_61 = tpu.memref_slice %arg4[%add3A, %add3A_24, %dma_start3A_60] : memref<32x160x64xi32, #tpu.memory_space<hbm>> -> memref<1x40x64xi32, #tpu.memory_space<hbm>>
        %dma_start3A_62 = tpu.memref_squeeze %dma_start3A_61 : memref<1x40x64xi32, #tpu.memory_space<hbm>> -> memref<40x64xi32, #tpu.memory_space<hbm>>
        tpu.enqueue_dma source(%dma_start3A_62 : memref<40x64xi32, #tpu.memory_space<hbm>>) target(%arg7 : memref<40x64xi32, #tpu.memory_space<vmem>>) target_semaphore(%run_scoped3A : memref<!tpu.dma_semaphore, #tpu.memory_space<semaphore_mem>>)
        %dma_wait3A = arith.constant 0 : i32
        %dma_wait3A_63 = tpu.memref_slice %arg4[%add3A, %add3A_24, %dma_wait3A] : memref<32x160x64xi32, #tpu.memory_space<hbm>> -> memref<1x40x64xi32, #tpu.memory_space<hbm>>
        %dma_wait3A_64 = tpu.memref_squeeze %dma_wait3A_63 : memref<1x40x64xi32, #tpu.memory_space<hbm>> -> memref<40x64xi32, #tpu.memory_space<hbm>>
        %dma_wait3A_65 = arith.constant 0 : i32
        %dma_wait3A_66 = tpu.memref_slice %arg4[%add3A, %add3A_24, %dma_wait3A_65] : memref<32x160x64xi32, #tpu.memory_space<hbm>> -> memref<1x40x64xi32, #tpu.memory_space<hbm>>
        %dma_wait3A_67 = tpu.memref_squeeze %dma_wait3A_66 : memref<1x40x64xi32, #tpu.memory_space<hbm>> -> memref<40x64xi32, #tpu.memory_space<hbm>>
        tpu.wait_dma2 semaphore(%run_scoped3A : memref<!tpu.dma_semaphore, #tpu.memory_space<semaphore_mem>>) src(%dma_wait3A_67 : memref<40x64xi32, #tpu.memory_space<hbm>>) dst(%arg7 : memref<40x64xi32, #tpu.memory_space<vmem>>)
        tpu.yield
      }) : () -> ()
      %dma_start3A = arith.constant 0 : i32
      %dma_start3A_25 = arith.constant 0 : i32
      %dma_start3A_26 = tpu.memref_slice %arg6[%dma_start3A, %dma_start3A_25] : memref<40x64xi32, #tpu.memory_space<vmem>> -> memref<1x64xi32, #tpu.memory_space<vmem>>
      %dma_start3A_27 = tpu.memref_squeeze %dma_start3A_26 : memref<1x64xi32, #tpu.memory_space<vmem>> -> memref<64xi32, #tpu.memory_space<vmem>>
      %dma_start3A_28 = arith.constant 0 : i32
      %dma_start3A_29 = arith.constant 0 : i32
      %dma_start3A_30 = tpu.memref_slice %arg2[%dma_start3A_28, %dma_start3A_29] : memref<10240x128xf32, #tpu.memory_space<hbm>> -> memref<10240x128xf32, #tpu.memory_space<hbm>>
      tpu.enqueue_indirect_dma source(%dma_start3A_30 : memref<10240x128xf32, #tpu.memory_space<hbm>>) target(%arg8 : memref<64x128xf32, #tpu.memory_space<vmem>>) offsets(%dma_start3A_27 : memref<64xi32, #tpu.memory_space<vmem>>) semaphore(%arg13 : memref<!tpu.dma_semaphore, #tpu.memory_space<semaphore_mem>>)
      %dma_start3A_31 = arith.constant 1 : i32
      %dma_start3A_32 = arith.constant 0 : i32
      %dma_start3A_33 = tpu.memref_slice %arg6[%dma_start3A_31, %dma_start3A_32] : memref<40x64xi32, #tpu.memory_space<vmem>> -> memref<1x64xi32, #tpu.memory_space<vmem>>
      %dma_start3A_34 = tpu.memref_squeeze %dma_start3A_33 : memref<1x64xi32, #tpu.memory_space<vmem>> -> memref<64xi32, #tpu.memory_space<vmem>>
      %dma_start3A_35 = arith.constant 0 : i32
      %dma_start3A_36 = arith.constant 0 : i32
      %dma_start3A_37 = tpu.memref_slice %arg2[%dma_start3A_35, %dma_start3A_36] : memref<10240x128xf32, #tpu.memory_space<hbm>> -> memref<10240x128xf32, #tpu.memory_space<hbm>>
      tpu.enqueue_indirect_dma source(%dma_start3A_37 : memref<10240x128xf32, #tpu.memory_space<hbm>>) target(%arg9 : memref<64x128xf32, #tpu.memory_space<vmem>>) offsets(%dma_start3A_34 : memref<64xi32, #tpu.memory_space<vmem>>) semaphore(%arg14 : memref<!tpu.dma_semaphore, #tpu.memory_space<semaphore_mem>>)
      %dma_start3A_38 = arith.constant 2 : i32
      %dma_start3A_39 = arith.constant 0 : i32
      %dma_start3A_40 = tpu.memref_slice %arg6[%dma_start3A_38, %dma_start3A_39] : memref<40x64xi32, #tpu.memory_space<vmem>> -> memref<1x64xi32, #tpu.memory_space<vmem>>
      %dma_start3A_41 = tpu.memref_squeeze %dma_start3A_40 : memref<1x64xi32, #tpu.memory_space<vmem>> -> memref<64xi32, #tpu.memory_space<vmem>>
      %dma_start3A_42 = arith.constant 0 : i32
      %dma_start3A_43 = arith.constant 0 : i32
      %dma_start3A_44 = tpu.memref_slice %arg2[%dma_start3A_42, %dma_start3A_43] : memref<10240x128xf32, #tpu.memory_space<hbm>> -> memref<10240x128xf32, #tpu.memory_space<hbm>>
      tpu.enqueue_indirect_dma source(%dma_start3A_44 : memref<10240x128xf32, #tpu.memory_space<hbm>>) target(%arg10 : memref<64x128xf32, #tpu.memory_space<vmem>>) offsets(%dma_start3A_41 : memref<64xi32, #tpu.memory_space<vmem>>) semaphore(%arg15 : memref<!tpu.dma_semaphore, #tpu.memory_space<semaphore_mem>>)
      %dma_start3A_45 = arith.constant 3 : i32
      %dma_start3A_46 = arith.constant 0 : i32
      %dma_start3A_47 = tpu.memref_slice %arg6[%dma_start3A_45, %dma_start3A_46] : memref<40x64xi32, #tpu.memory_space<vmem>> -> memref<1x64xi32, #tpu.memory_space<vmem>>
      %dma_start3A_48 = tpu.memref_squeeze %dma_start3A_47 : memref<1x64xi32, #tpu.memory_space<vmem>> -> memref<64xi32, #tpu.memory_space<vmem>>
      %dma_start3A_49 = arith.constant 0 : i32
      %dma_start3A_50 = arith.constant 0 : i32
      %dma_start3A_51 = tpu.memref_slice %arg2[%dma_start3A_49, %dma_start3A_50] : memref<10240x128xf32, #tpu.memory_space<hbm>> -> memref<10240x128xf32, #tpu.memory_space<hbm>>
      tpu.enqueue_indirect_dma source(%dma_start3A_51 : memref<10240x128xf32, #tpu.memory_space<hbm>>) target(%arg11 : memref<64x128xf32, #tpu.memory_space<vmem>>) offsets(%dma_start3A_48 : memref<64xi32, #tpu.memory_space<vmem>>) semaphore(%arg16 : memref<!tpu.dma_semaphore, #tpu.memory_space<semaphore_mem>>)
      %scan3A_52 = arith.constant 0 : i32
      %scan3A_53 = arith.constant 10 : i32
      %scan3A_54 = arith.addi %scan3A_52, %scan3A_53 : i32
      %scan3A_55 = arith.constant 1 : i32
      scf.for %scan3A_57 = %scan3A_52 to %scan3A_54 step %scan3A_55  : i32 {
        %mul3A_58 = arith.constant 4 : i32
        %mul3A_59 = arith.muli %scan3A_57, %mul3A_58 : i32
        %add3A_60 = arith.constant 0 : i32
        %add3A_61 = arith.addi %add3A_60, %mul3A_59 : i32
        %add3A_62 = arith.constant 0 : i32
        %add3A_63 = arith.addi %add3A_61, %add3A_62 : i32
        %dma_wait3A = arith.constant 0 : i32
        %dma_wait3A_64 = tpu.memref_slice %arg6[%add3A_63, %dma_wait3A] : memref<40x64xi32, #tpu.memory_space<vmem>> -> memref<1x64xi32, #tpu.memory_space<vmem>>
        %dma_wait3A_65 = tpu.memref_squeeze %dma_wait3A_64 : memref<1x64xi32, #tpu.memory_space<vmem>> -> memref<64xi32, #tpu.memory_space<vmem>>
        %dma_wait3A_66 = arith.constant 0 : i32
        %dma_wait3A_67 = arith.constant 0 : i32
        %dma_wait3A_68 = tpu.memref_slice %arg2[%dma_wait3A_66, %dma_wait3A_67] : memref<10240x128xf32, #tpu.memory_space<hbm>> -> memref<10240x128xf32, #tpu.memory_space<hbm>>
        tpu.wait_indirect_dma semaphore(%arg13 : memref<!tpu.dma_semaphore, #tpu.memory_space<semaphore_mem>>) src(%dma_wait3A_68 : memref<10240x128xf32, #tpu.memory_space<hbm>>) dst(%arg8 : memref<64x128xf32, #tpu.memory_space<vmem>>)
        %add3A_69 = arith.constant 0 : i32
        %add3A_70 = arith.addi %add3A_61, %add3A_69 : i32
        "tpu.region"() ({
          %run_scoped3A = tpu.sem_alloc : memref<!tpu.dma_semaphore, #tpu.memory_space<semaphore_mem>>
          %dma_start3A_134 = arith.constant 0 : i32
          %dma_start3A_135 = tpu.memref_slice %arg7[%add3A_70, %dma_start3A_134] : memref<40x64xi32, #tpu.memory_space<vmem>> -> memref<1x64xi32, #tpu.memory_space<vmem>>
          %dma_start3A_136 = tpu.memref_squeeze %dma_start3A_135 : memref<1x64xi32, #tpu.memory_space<vmem>> -> memref<64xi32, #tpu.memory_space<vmem>>
          %dma_start3A_137 = arith.constant 0 : i32
          %dma_start3A_138 = arith.constant 0 : i32
          %dma_start3A_139 = tpu.memref_slice %arg12[%dma_start3A_137, %dma_start3A_138] : memref<10240x128xf32, #tpu.memory_space<vmem_shared>> -> memref<10240x128xf32, #tpu.memory_space<vmem_shared>>
          tpu.enqueue_indirect_dma source(%arg8 : memref<64x128xf32, #tpu.memory_space<vmem>>) target(%dma_start3A_139 : memref<10240x128xf32, #tpu.memory_space<vmem_shared>>) offsets(%dma_start3A_136 : memref<64xi32, #tpu.memory_space<vmem>>) semaphore(%run_scoped3A : memref<!tpu.dma_semaphore, #tpu.memory_space<semaphore_mem>>) {add = true}
          %dma_wait3A_140 = arith.constant 0 : i32
          %dma_wait3A_141 = tpu.memref_slice %arg7[%add3A_70, %dma_wait3A_140] : memref<40x64xi32, #tpu.memory_space<vmem>> -> memref<1x64xi32, #tpu.memory_space<vmem>>
          %dma_wait3A_142 = tpu.memref_squeeze %dma_wait3A_141 : memref<1x64xi32, #tpu.memory_space<vmem>> -> memref<64xi32, #tpu.memory_space<vmem>>
          %dma_wait3A_143 = arith.constant 0 : i32
          %dma_wait3A_144 = arith.constant 0 : i32
          %dma_wait3A_145 = tpu.memref_slice %arg12[%dma_wait3A_143, %dma_wait3A_144] : memref<10240x128xf32, #tpu.memory_space<vmem_shared>> -> memref<10240x128xf32, #tpu.memory_space<vmem_shared>>
          tpu.wait_indirect_dma semaphore(%run_scoped3A : memref<!tpu.dma_semaphore, #tpu.memory_space<semaphore_mem>>) src(%arg8 : memref<64x128xf32, #tpu.memory_space<vmem>>) dst(%dma_wait3A_145 : memref<10240x128xf32, #tpu.memory_space<vmem_shared>>)
          tpu.yield
        }) : () -> ()
        %add3A_71 = arith.constant 0 : i32
        %add3A_72 = arith.addi %add3A_61, %add3A_71 : i32
        %add3A_73 = arith.constant 4 : i32
        %add3A_74 = arith.addi %add3A_72, %add3A_73 : i32
        %lt3A = arith.constant 40 : i32
        %lt3A_75 = arith.cmpi slt, %add3A_74, %lt3A : i32
        %convert_element_type3A = arith.extui %lt3A_75 : i1 to i32
        %cond3A = arith.constant 0 : i32
        %cond3A_76 = arith.cmpi ne, %convert_element_type3A, %cond3A : i32
        scf.if %cond3A_76 {
          %add3A_134 = arith.constant 0 : i32
          %add3A_135 = arith.addi %add3A_61, %add3A_134 : i32
          %add3A_136 = arith.constant 4 : i32
          %add3A_137 = arith.addi %add3A_135, %add3A_136 : i32
          %dma_start3A_138 = arith.constant 0 : i32
          %dma_start3A_139 = tpu.memref_slice %arg6[%add3A_137, %dma_start3A_138] : memref<40x64xi32, #tpu.memory_space<vmem>> -> memref<1x64xi32, #tpu.memory_space<vmem>>
          %dma_start3A_140 = tpu.memref_squeeze %dma_start3A_139 : memref<1x64xi32, #tpu.memory_space<vmem>> -> memref<64xi32, #tpu.memory_space<vmem>>
          %dma_start3A_141 = arith.constant 0 : i32
          %dma_start3A_142 = arith.constant 0 : i32
          %dma_start3A_143 = tpu.memref_slice %arg2[%dma_start3A_141, %dma_start3A_142] : memref<10240x128xf32, #tpu.memory_space<hbm>> -> memref<10240x128xf32, #tpu.memory_space<hbm>>
          tpu.enqueue_indirect_dma source(%dma_start3A_143 : memref<10240x128xf32, #tpu.memory_space<hbm>>) target(%arg8 : memref<64x128xf32, #tpu.memory_space<vmem>>) offsets(%dma_start3A_140 : memref<64xi32, #tpu.memory_space<vmem>>) semaphore(%arg13 : memref<!tpu.dma_semaphore, #tpu.memory_space<semaphore_mem>>)
        } else {
        }
        %add3A_77 = arith.constant 1 : i32
        %add3A_78 = arith.addi %add3A_61, %add3A_77 : i32
        %dma_wait3A_79 = arith.constant 0 : i32
        %dma_wait3A_80 = tpu.memref_slice %arg6[%add3A_78, %dma_wait3A_79] : memref<40x64xi32, #tpu.memory_space<vmem>> -> memref<1x64xi32, #tpu.memory_space<vmem>>
        %dma_wait3A_81 = tpu.memref_squeeze %dma_wait3A_80 : memref<1x64xi32, #tpu.memory_space<vmem>> -> memref<64xi32, #tpu.memory_space<vmem>>
        %dma_wait3A_82 = arith.constant 0 : i32
        %dma_wait3A_83 = arith.constant 0 : i32
        %dma_wait3A_84 = tpu.memref_slice %arg2[%dma_wait3A_82, %dma_wait3A_83] : memref<10240x128xf32, #tpu.memory_space<hbm>> -> memref<10240x128xf32, #tpu.memory_space<hbm>>
        tpu.wait_indirect_dma semaphore(%arg14 : memref<!tpu.dma_semaphore, #tpu.memory_space<semaphore_mem>>) src(%dma_wait3A_84 : memref<10240x128xf32, #tpu.memory_space<hbm>>) dst(%arg9 : memref<64x128xf32, #tpu.memory_space<vmem>>)
        %add3A_85 = arith.constant 1 : i32
        %add3A_86 = arith.addi %add3A_61, %add3A_85 : i32
        "tpu.region"() ({
          %run_scoped3A = tpu.sem_alloc : memref<!tpu.dma_semaphore, #tpu.memory_space<semaphore_mem>>
          %dma_start3A_134 = arith.constant 0 : i32
          %dma_start3A_135 = tpu.memref_slice %arg7[%add3A_86, %dma_start3A_134] : memref<40x64xi32, #tpu.memory_space<vmem>> -> memref<1x64xi32, #tpu.memory_space<vmem>>
          %dma_start3A_136 = tpu.memref_squeeze %dma_start3A_135 : memref<1x64xi32, #tpu.memory_space<vmem>> -> memref<64xi32, #tpu.memory_space<vmem>>
          %dma_start3A_137 = arith.constant 0 : i32
          %dma_start3A_138 = arith.constant 0 : i32
          %dma_start3A_139 = tpu.memref_slice %arg12[%dma_start3A_137, %dma_start3A_138] : memref<10240x128xf32, #tpu.memory_space<vmem_shared>> -> memref<10240x128xf32, #tpu.memory_space<vmem_shared>>
          tpu.enqueue_indirect_dma source(%arg9 : memref<64x128xf32, #tpu.memory_space<vmem>>) target(%dma_start3A_139 : memref<10240x128xf32, #tpu.memory_space<vmem_shared>>) offsets(%dma_start3A_136 : memref<64xi32, #tpu.memory_space<vmem>>) semaphore(%run_scoped3A : memref<!tpu.dma_semaphore, #tpu.memory_space<semaphore_mem>>) {add = true}
          %dma_wait3A_140 = arith.constant 0 : i32
          %dma_wait3A_141 = tpu.memref_slice %arg7[%add3A_86, %dma_wait3A_140] : memref<40x64xi32, #tpu.memory_space<vmem>> -> memref<1x64xi32, #tpu.memory_space<vmem>>
          %dma_wait3A_142 = tpu.memref_squeeze %dma_wait3A_141 : memref<1x64xi32, #tpu.memory_space<vmem>> -> memref<64xi32, #tpu.memory_space<vmem>>
          %dma_wait3A_143 = arith.constant 0 : i32
          %dma_wait3A_144 = arith.constant 0 : i32
          %dma_wait3A_145 = tpu.memref_slice %arg12[%dma_wait3A_143, %dma_wait3A_144] : memref<10240x128xf32, #tpu.memory_space<vmem_shared>> -> memref<10240x128xf32, #tpu.memory_space<vmem_shared>>
          tpu.wait_indirect_dma semaphore(%run_scoped3A : memref<!tpu.dma_semaphore, #tpu.memory_space<semaphore_mem>>) src(%arg9 : memref<64x128xf32, #tpu.memory_space<vmem>>) dst(%dma_wait3A_145 : memref<10240x128xf32, #tpu.memory_space<vmem_shared>>)
          tpu.yield
        }) : () -> ()
        %add3A_87 = arith.constant 1 : i32
        %add3A_88 = arith.addi %add3A_61, %add3A_87 : i32
        %add3A_89 = arith.constant 4 : i32
        %add3A_90 = arith.addi %add3A_88, %add3A_89 : i32
        %lt3A_91 = arith.constant 40 : i32
        %lt3A_92 = arith.cmpi slt, %add3A_90, %lt3A_91 : i32
        %convert_element_type3A_93 = arith.extui %lt3A_92 : i1 to i32
        %cond3A_94 = arith.constant 0 : i32
        %cond3A_95 = arith.cmpi ne, %convert_element_type3A_93, %cond3A_94 : i32
        scf.if %cond3A_95 {
          %add3A_134 = arith.constant 1 : i32
          %add3A_135 = arith.addi %add3A_61, %add3A_134 : i32
          %add3A_136 = arith.constant 4 : i32
          %add3A_137 = arith.addi %add3A_135, %add3A_136 : i32
          %dma_start3A_138 = arith.constant 0 : i32
          %dma_start3A_139 = tpu.memref_slice %arg6[%add3A_137, %dma_start3A_138] : memref<40x64xi32, #tpu.memory_space<vmem>> -> memref<1x64xi32, #tpu.memory_space<vmem>>
          %dma_start3A_140 = tpu.memref_squeeze %dma_start3A_139 : memref<1x64xi32, #tpu.memory_space<vmem>> -> memref<64xi32, #tpu.memory_space<vmem>>
          %dma_start3A_141 = arith.constant 0 : i32
          %dma_start3A_142 = arith.constant 0 : i32
          %dma_start3A_143 = tpu.memref_slice %arg2[%dma_start3A_141, %dma_start3A_142] : memref<10240x128xf32, #tpu.memory_space<hbm>> -> memref<10240x128xf32, #tpu.memory_space<hbm>>
          tpu.enqueue_indirect_dma source(%dma_start3A_143 : memref<10240x128xf32, #tpu.memory_space<hbm>>) target(%arg9 : memref<64x128xf32, #tpu.memory_space<vmem>>) offsets(%dma_start3A_140 : memref<64xi32, #tpu.memory_space<vmem>>) semaphore(%arg14 : memref<!tpu.dma_semaphore, #tpu.memory_space<semaphore_mem>>)
        } else {
        }
        %add3A_96 = arith.constant 2 : i32
        %add3A_97 = arith.addi %add3A_61, %add3A_96 : i32
        %dma_wait3A_98 = arith.constant 0 : i32
        %dma_wait3A_99 = tpu.memref_slice %arg6[%add3A_97, %dma_wait3A_98] : memref<40x64xi32, #tpu.memory_space<vmem>> -> memref<1x64xi32, #tpu.memory_space<vmem>>
        %dma_wait3A_100 = tpu.memref_squeeze %dma_wait3A_99 : memref<1x64xi32, #tpu.memory_space<vmem>> -> memref<64xi32, #tpu.memory_space<vmem>>
        %dma_wait3A_101 = arith.constant 0 : i32
        %dma_wait3A_102 = arith.constant 0 : i32
        %dma_wait3A_103 = tpu.memref_slice %arg2[%dma_wait3A_101, %dma_wait3A_102] : memref<10240x128xf32, #tpu.memory_space<hbm>> -> memref<10240x128xf32, #tpu.memory_space<hbm>>
        tpu.wait_indirect_dma semaphore(%arg15 : memref<!tpu.dma_semaphore, #tpu.memory_space<semaphore_mem>>) src(%dma_wait3A_103 : memref<10240x128xf32, #tpu.memory_space<hbm>>) dst(%arg10 : memref<64x128xf32, #tpu.memory_space<vmem>>)
        %add3A_104 = arith.constant 2 : i32
        %add3A_105 = arith.addi %add3A_61, %add3A_104 : i32
        "tpu.region"() ({
          %run_scoped3A = tpu.sem_alloc : memref<!tpu.dma_semaphore, #tpu.memory_space<semaphore_mem>>
          %dma_start3A_134 = arith.constant 0 : i32
          %dma_start3A_135 = tpu.memref_slice %arg7[%add3A_105, %dma_start3A_134] : memref<40x64xi32, #tpu.memory_space<vmem>> -> memref<1x64xi32, #tpu.memory_space<vmem>>
          %dma_start3A_136 = tpu.memref_squeeze %dma_start3A_135 : memref<1x64xi32, #tpu.memory_space<vmem>> -> memref<64xi32, #tpu.memory_space<vmem>>
          %dma_start3A_137 = arith.constant 0 : i32
          %dma_start3A_138 = arith.constant 0 : i32
          %dma_start3A_139 = tpu.memref_slice %arg12[%dma_start3A_137, %dma_start3A_138] : memref<10240x128xf32, #tpu.memory_space<vmem_shared>> -> memref<10240x128xf32, #tpu.memory_space<vmem_shared>>
          tpu.enqueue_indirect_dma source(%arg10 : memref<64x128xf32, #tpu.memory_space<vmem>>) target(%dma_start3A_139 : memref<10240x128xf32, #tpu.memory_space<vmem_shared>>) offsets(%dma_start3A_136 : memref<64xi32, #tpu.memory_space<vmem>>) semaphore(%run_scoped3A : memref<!tpu.dma_semaphore, #tpu.memory_space<semaphore_mem>>) {add = true}
          %dma_wait3A_140 = arith.constant 0 : i32
          %dma_wait3A_141 = tpu.memref_slice %arg7[%add3A_105, %dma_wait3A_140] : memref<40x64xi32, #tpu.memory_space<vmem>> -> memref<1x64xi32, #tpu.memory_space<vmem>>
          %dma_wait3A_142 = tpu.memref_squeeze %dma_wait3A_141 : memref<1x64xi32, #tpu.memory_space<vmem>> -> memref<64xi32, #tpu.memory_space<vmem>>
          %dma_wait3A_143 = arith.constant 0 : i32
          %dma_wait3A_144 = arith.constant 0 : i32
          %dma_wait3A_145 = tpu.memref_slice %arg12[%dma_wait3A_143, %dma_wait3A_144] : memref<10240x128xf32, #tpu.memory_space<vmem_shared>> -> memref<10240x128xf32, #tpu.memory_space<vmem_shared>>
          tpu.wait_indirect_dma semaphore(%run_scoped3A : memref<!tpu.dma_semaphore, #tpu.memory_space<semaphore_mem>>) src(%arg10 : memref<64x128xf32, #tpu.memory_space<vmem>>) dst(%dma_wait3A_145 : memref<10240x128xf32, #tpu.memory_space<vmem_shared>>)
          tpu.yield
        }) : () -> ()
        %add3A_106 = arith.constant 2 : i32
        %add3A_107 = arith.addi %add3A_61, %add3A_106 : i32
        %add3A_108 = arith.constant 4 : i32
        %add3A_109 = arith.addi %add3A_107, %add3A_108 : i32
        %lt3A_110 = arith.constant 40 : i32
        %lt3A_111 = arith.cmpi slt, %add3A_109, %lt3A_110 : i32
        %convert_element_type3A_112 = arith.extui %lt3A_111 : i1 to i32
        %cond3A_113 = arith.constant 0 : i32
        %cond3A_114 = arith.cmpi ne, %convert_element_type3A_112, %cond3A_113 : i32
        scf.if %cond3A_114 {
          %add3A_134 = arith.constant 2 : i32
          %add3A_135 = arith.addi %add3A_61, %add3A_134 : i32
          %add3A_136 = arith.constant 4 : i32
          %add3A_137 = arith.addi %add3A_135, %add3A_136 : i32
          %dma_start3A_138 = arith.constant 0 : i32
          %dma_start3A_139 = tpu.memref_slice %arg6[%add3A_137, %dma_start3A_138] : memref<40x64xi32, #tpu.memory_space<vmem>> -> memref<1x64xi32, #tpu.memory_space<vmem>>
          %dma_start3A_140 = tpu.memref_squeeze %dma_start3A_139 : memref<1x64xi32, #tpu.memory_space<vmem>> -> memref<64xi32, #tpu.memory_space<vmem>>
          %dma_start3A_141 = arith.constant 0 : i32
          %dma_start3A_142 = arith.constant 0 : i32
          %dma_start3A_143 = tpu.memref_slice %arg2[%dma_start3A_141, %dma_start3A_142] : memref<10240x128xf32, #tpu.memory_space<hbm>> -> memref<10240x128xf32, #tpu.memory_space<hbm>>
          tpu.enqueue_indirect_dma source(%dma_start3A_143 : memref<10240x128xf32, #tpu.memory_space<hbm>>) target(%arg10 : memref<64x128xf32, #tpu.memory_space<vmem>>) offsets(%dma_start3A_140 : memref<64xi32, #tpu.memory_space<vmem>>) semaphore(%arg15 : memref<!tpu.dma_semaphore, #tpu.memory_space<semaphore_mem>>)
        } else {
        }
        %add3A_115 = arith.constant 3 : i32
        %add3A_116 = arith.addi %add3A_61, %add3A_115 : i32
        %dma_wait3A_117 = arith.constant 0 : i32
        %dma_wait3A_118 = tpu.memref_slice %arg6[%add3A_116, %dma_wait3A_117] : memref<40x64xi32, #tpu.memory_space<vmem>> -> memref<1x64xi32, #tpu.memory_space<vmem>>
        %dma_wait3A_119 = tpu.memref_squeeze %dma_wait3A_118 : memref<1x64xi32, #tpu.memory_space<vmem>> -> memref<64xi32, #tpu.memory_space<vmem>>
        %dma_wait3A_120 = arith.constant 0 : i32
        %dma_wait3A_121 = arith.constant 0 : i32
        %dma_wait3A_122 = tpu.memref_slice %arg2[%dma_wait3A_120, %dma_wait3A_121] : memref<10240x128xf32, #tpu.memory_space<hbm>> -> memref<10240x128xf32, #tpu.memory_space<hbm>>
        tpu.wait_indirect_dma semaphore(%arg16 : memref<!tpu.dma_semaphore, #tpu.memory_space<semaphore_mem>>) src(%dma_wait3A_122 : memref<10240x128xf32, #tpu.memory_space<hbm>>) dst(%arg11 : memref<64x128xf32, #tpu.memory_space<vmem>>)
        %add3A_123 = arith.constant 3 : i32
        %add3A_124 = arith.addi %add3A_61, %add3A_123 : i32
        "tpu.region"() ({
          %run_scoped3A = tpu.sem_alloc : memref<!tpu.dma_semaphore, #tpu.memory_space<semaphore_mem>>
          %dma_start3A_134 = arith.constant 0 : i32
          %dma_start3A_135 = tpu.memref_slice %arg7[%add3A_124, %dma_start3A_134] : memref<40x64xi32, #tpu.memory_space<vmem>> -> memref<1x64xi32, #tpu.memory_space<vmem>>
          %dma_start3A_136 = tpu.memref_squeeze %dma_start3A_135 : memref<1x64xi32, #tpu.memory_space<vmem>> -> memref<64xi32, #tpu.memory_space<vmem>>
          %dma_start3A_137 = arith.constant 0 : i32
          %dma_start3A_138 = arith.constant 0 : i32
          %dma_start3A_139 = tpu.memref_slice %arg12[%dma_start3A_137, %dma_start3A_138] : memref<10240x128xf32, #tpu.memory_space<vmem_shared>> -> memref<10240x128xf32, #tpu.memory_space<vmem_shared>>
          tpu.enqueue_indirect_dma source(%arg11 : memref<64x128xf32, #tpu.memory_space<vmem>>) target(%dma_start3A_139 : memref<10240x128xf32, #tpu.memory_space<vmem_shared>>) offsets(%dma_start3A_136 : memref<64xi32, #tpu.memory_space<vmem>>) semaphore(%run_scoped3A : memref<!tpu.dma_semaphore, #tpu.memory_space<semaphore_mem>>) {add = true}
          %dma_wait3A_140 = arith.constant 0 : i32
          %dma_wait3A_141 = tpu.memref_slice %arg7[%add3A_124, %dma_wait3A_140] : memref<40x64xi32, #tpu.memory_space<vmem>> -> memref<1x64xi32, #tpu.memory_space<vmem>>
          %dma_wait3A_142 = tpu.memref_squeeze %dma_wait3A_141 : memref<1x64xi32, #tpu.memory_space<vmem>> -> memref<64xi32, #tpu.memory_space<vmem>>
          %dma_wait3A_143 = arith.constant 0 : i32
          %dma_wait3A_144 = arith.constant 0 : i32
          %dma_wait3A_145 = tpu.memref_slice %arg12[%dma_wait3A_143, %dma_wait3A_144] : memref<10240x128xf32, #tpu.memory_space<vmem_shared>> -> memref<10240x128xf32, #tpu.memory_space<vmem_shared>>
          tpu.wait_indirect_dma semaphore(%run_scoped3A : memref<!tpu.dma_semaphore, #tpu.memory_space<semaphore_mem>>) src(%arg11 : memref<64x128xf32, #tpu.memory_space<vmem>>) dst(%dma_wait3A_145 : memref<10240x128xf32, #tpu.memory_space<vmem_shared>>)
          tpu.yield
        }) : () -> ()
        %add3A_125 = arith.constant 3 : i32
        %add3A_126 = arith.addi %add3A_61, %add3A_125 : i32
        %add3A_127 = arith.constant 4 : i32
        %add3A_128 = arith.addi %add3A_126, %add3A_127 : i32
        %lt3A_129 = arith.constant 40 : i32
        %lt3A_130 = arith.cmpi slt, %add3A_128, %lt3A_129 : i32
        %convert_element_type3A_131 = arith.extui %lt3A_130 : i1 to i32
        %cond3A_132 = arith.constant 0 : i32
        %cond3A_133 = arith.cmpi ne, %convert_element_type3A_131, %cond3A_132 : i32
        scf.if %cond3A_133 {
          %add3A_134 = arith.constant 3 : i32
          %add3A_135 = arith.addi %add3A_61, %add3A_134 : i32
          %add3A_136 = arith.constant 4 : i32
          %add3A_137 = arith.addi %add3A_135, %add3A_136 : i32
          %dma_start3A_138 = arith.constant 0 : i32
          %dma_start3A_139 = tpu.memref_slice %arg6[%add3A_137, %dma_start3A_138] : memref<40x64xi32, #tpu.memory_space<vmem>> -> memref<1x64xi32, #tpu.memory_space<vmem>>
          %dma_start3A_140 = tpu.memref_squeeze %dma_start3A_139 : memref<1x64xi32, #tpu.memory_space<vmem>> -> memref<64xi32, #tpu.memory_space<vmem>>
          %dma_start3A_141 = arith.constant 0 : i32
          %dma_start3A_142 = arith.constant 0 : i32
          %dma_start3A_143 = tpu.memref_slice %arg2[%dma_start3A_141, %dma_start3A_142] : memref<10240x128xf32, #tpu.memory_space<hbm>> -> memref<10240x128xf32, #tpu.memory_space<hbm>>
          tpu.enqueue_indirect_dma source(%dma_start3A_143 : memref<10240x128xf32, #tpu.memory_space<hbm>>) target(%arg11 : memref<64x128xf32, #tpu.memory_space<vmem>>) offsets(%dma_start3A_140 : memref<64xi32, #tpu.memory_space<vmem>>) semaphore(%arg16 : memref<!tpu.dma_semaphore, #tpu.memory_space<semaphore_mem>>)
        } else {
        }
      }
      %scan3A_56 = arith.constant 10 : i32
    }
    %scan3A_14 = arith.constant 4 : i32
    %barrier3A_15 = arith.constant 0 : index
    tpu.barrier barrier_id(%barrier3A_15)
    %mul3A_16 = arith.constant 640 : i32
    %mul3A_17 = arith.muli %arg1, %mul3A_16 : i32
    %mul3A_18 = arith.constant 640 : i32
    %mul3A_19 = arith.muli %arg1, %mul3A_18 : i32
    "tpu.region"() ({
      %run_scoped3A = tpu.sem_alloc : memref<!tpu.dma_semaphore, #tpu.memory_space<semaphore_mem>>
      %dma_start3A = arith.constant 0 : i32
      %dma_start3A_20 = tpu.memref_slice %arg5[%arg0, %mul3A_19, %dma_start3A] : memref<2x10240x128xf32, #tpu.memory_space<hbm>> -> memref<1x640x128xf32, #tpu.memory_space<hbm>>
      %dma_start3A_21 = tpu.memref_squeeze %dma_start3A_20 : memref<1x640x128xf32, #tpu.memory_space<hbm>> -> memref<640x128xf32, #tpu.memory_space<hbm>>
      %dma_start3A_22 = arith.constant 0 : i32
      %dma_start3A_23 = tpu.memref_slice %arg12[%mul3A_17, %dma_start3A_22] : memref<10240x128xf32, #tpu.memory_space<vmem_shared>> -> memref<640x128xf32, #tpu.memory_space<vmem_shared>>
      tpu.enqueue_dma source(%dma_start3A_23 : memref<640x128xf32, #tpu.memory_space<vmem_shared>>) target(%dma_start3A_21 : memref<640x128xf32, #tpu.memory_space<hbm>>) target_semaphore(%run_scoped3A : memref<!tpu.dma_semaphore, #tpu.memory_space<semaphore_mem>>)
      %dma_wait3A = arith.constant 0 : i32
      %dma_wait3A_24 = tpu.memref_slice %arg5[%arg0, %mul3A_19, %dma_wait3A] : memref<2x10240x128xf32, #tpu.memory_space<hbm>> -> memref<1x640x128xf32, #tpu.memory_space<hbm>>
      %dma_wait3A_25 = tpu.memref_squeeze %dma_wait3A_24 : memref<1x640x128xf32, #tpu.memory_space<hbm>> -> memref<640x128xf32, #tpu.memory_space<hbm>>
      %dma_wait3A_26 = arith.constant 0 : i32
      %dma_wait3A_27 = tpu.memref_slice %arg12[%mul3A_17, %dma_wait3A_26] : memref<10240x128xf32, #tpu.memory_space<vmem_shared>> -> memref<640x128xf32, #tpu.memory_space<vmem_shared>>
      tpu.wait_dma2 semaphore(%run_scoped3A : memref<!tpu.dma_semaphore, #tpu.memory_space<semaphore_mem>>) src(%dma_wait3A_27 : memref<640x128xf32, #tpu.memory_space<vmem_shared>>) dst(%dma_wait3A_25 : memref<640x128xf32, #tpu.memory_space<hbm>>)
      tpu.yield
    }) : () -> ()
    return
  }
}

module attributes {stable_mosaic.version = 14 : i64} {
  func.func @_mm_body(%arg0: i32, %arg1: memref<1280x128xf32, #tpu.memory_space<vmem>>, %arg2: memref<128x128xf32, #tpu.memory_space<vmem>>, %arg3: memref<1280x128xf32, #tpu.memory_space<vmem>>) attributes {dimension_semantics = [#tpu.dimension_semantics<arbitrary>], iteration_bounds = array<i64: 8>, scalar_prefetch = 0 : i64, scratch_operands = 0 : i64, tpu.core_type = #tpu.core_type<tc>, window_params = [{transform_indices = @transform_0, window_bounds = array<i64: 1280, 128>}, {pipeline_mode = #tpu.pipeline_mode<synchronous>, transform_indices = @transform_1, window_bounds = array<i64: 128, 128>}, {transform_indices = @transform_2, window_bounds = array<i64: 1280, 128>}]} {
    %get3A = arith.constant 0 : index
    %get3A_0 = arith.constant 0 : index
    %get3A_1 = vector.load %arg1[%get3A, %get3A_0] : memref<1280x128xf32, #tpu.memory_space<vmem>>, vector<1280x128xf32>
    %get3A_2 = arith.constant 0 : index
    %get3A_3 = arith.constant 0 : index
    %get3A_4 = vector.load %arg2[%get3A_2, %get3A_3] : memref<128x128xf32, #tpu.memory_space<vmem>>, vector<128x128xf32>
    %dot_general3A = arith.constant dense<0.000000e+00> : vector<1280x128xf32>
    %dot_general3A_5 = tpu.matmul %get3A_1, %get3A_4, %dot_general3A {dimension_numbers = #tpu.dot_dimension_numbers<[1], [0], [0], [1], [0, 0, 1, 1], [], []>, precision = #tpu.contract_precision<fp32>, transpose_lhs_hint = false} : vector<1280x128xf32>, vector<128x128xf32>, vector<1280x128xf32> -> vector<1280x128xf32>
    %swap3A = arith.constant 0 : index
    %swap3A_6 = arith.constant 0 : index
    %swap3A_7 = vector.load %arg3[%swap3A, %swap3A_6] : memref<1280x128xf32, #tpu.memory_space<vmem>>, vector<1280x128xf32>
    tpu.vector_store %arg3[%swap3A, %swap3A_6], %dot_general3A_5 {strides = array<i32>} : memref<1280x128xf32, #tpu.memory_space<vmem>>, vector<1280x128xf32>,
    return
  }
  func.func @transform_0(%arg0: i32) -> (i32, i32) {
    %c0_i32 = arith.constant 0 : i32
    %c0_i32_0 = arith.constant 0 : i32
    return %arg0, %c0_i32 : i32, i32
  }
  func.func @transform_1(%arg0: i32) -> (i32, i32) {
    %c0_i32 = arith.constant 0 : i32
    %c0_i32_0 = arith.constant 0 : i32
    %c0_i32_1 = arith.constant 0 : i32
    return %c0_i32, %c0_i32_0 : i32, i32
  }
  func.func @transform_2(%arg0: i32) -> (i32, i32) {
    %c0_i32 = arith.constant 0 : i32
    %c0_i32_0 = arith.constant 0 : i32
    return %arg0, %c0_i32 : i32, i32
  }
}

module attributes {stable_mosaic.version = 14 : i64} {
  func.func @_scale_body(%arg0: i32, %arg1: memref<1280x128xf32, #tpu.memory_space<vmem>>, %arg2: memref<1280x1xf32, #tpu.memory_space<vmem>>, %arg3: memref<1280x1xf32, #tpu.memory_space<vmem>>, %arg4: memref<1280x128xf32, #tpu.memory_space<vmem>>) attributes {dimension_semantics = [#tpu.dimension_semantics<arbitrary>], iteration_bounds = array<i64: 8>, scalar_prefetch = 0 : i64, scratch_operands = 0 : i64, tpu.core_type = #tpu.core_type<tc>, window_params = [{transform_indices = @transform_0, window_bounds = array<i64: 1280, 128>}, {transform_indices = @transform_1, window_bounds = array<i64: 1280, 1>}, {transform_indices = @transform_2, window_bounds = array<i64: 1280, 1>}, {transform_indices = @transform_3, window_bounds = array<i64: 1280, 128>}]} {
    %get3A = arith.constant 0 : index
    %get3A_0 = arith.constant 0 : index
    %get3A_1 = vector.load %arg1[%get3A, %get3A_0] : memref<1280x128xf32, #tpu.memory_space<vmem>>, vector<1280x128xf32>
    %get3A_2 = arith.constant 0 : index
    %get3A_3 = arith.constant 0 : index
    %get3A_4 = vector.load %arg2[%get3A_2, %get3A_3] : memref<1280x1xf32, #tpu.memory_space<vmem>>, vector<1280x1xf32>
    %get3A_5 = arith.constant 0 : index
    %get3A_6 = arith.constant 0 : index
    %get3A_7 = vector.load %arg3[%get3A_5, %get3A_6] : memref<1280x1xf32, #tpu.memory_space<vmem>>, vector<1280x1xf32>
    %add3A = arith.addf %get3A_4, %get3A_7 : vector<1280x1xf32>
    %add3A_8 = arith.constant 1.000000e+00 : f32
    %add3A_9 = vector.broadcast %add3A_8 : f32 to vector<1280x1xf32>
    %add3A_10 = arith.addf %add3A, %add3A_9 : vector<1280x1xf32>
    %rsqrt3A = math.rsqrt %add3A_10 : vector<1280x1xf32>
    %mul3A = vector.broadcast %rsqrt3A : vector<1280x1xf32> to vector<1280x128xf32>
    %mul3A_11 = arith.mulf %get3A_1, %mul3A : vector<1280x128xf32>
    %swap3A = arith.constant 0 : index
    %swap3A_12 = arith.constant 0 : index
    %swap3A_13 = vector.load %arg4[%swap3A, %swap3A_12] : memref<1280x128xf32, #tpu.memory_space<vmem>>, vector<1280x128xf32>
    tpu.vector_store %arg4[%swap3A, %swap3A_12], %mul3A_11 {strides = array<i32>} : memref<1280x128xf32, #tpu.memory_space<vmem>>, vector<1280x128xf32>,
    return
  }
  func.func @transform_0(%arg0: i32) -> (i32, i32) {
    %c0_i32 = arith.constant 0 : i32
    %c0_i32_0 = arith.constant 0 : i32
    return %arg0, %c0_i32 : i32, i32
  }
  func.func @transform_1(%arg0: i32) -> (i32, i32) {
    %c0_i32 = arith.constant 0 : i32
    %c0_i32_0 = arith.constant 0 : i32
    return %arg0, %c0_i32 : i32, i32
  }
  func.func @transform_2(%arg0: i32) -> (i32, i32) {
    %c0_i32 = arith.constant 0 : i32
    %c0_i32_0 = arith.constant 0 : i32
    return %arg0, %c0_i32 : i32, i32
  }
  func.func @transform_3(%arg0: i32) -> (i32, i32) {
    %c0_i32 = arith.constant 0 : i32
    %c0_i32_0 = arith.constant 0 : i32
    return %arg0, %c0_i32 : i32, i32
  }
}

module attributes {stable_mosaic.version = 14 : i64} {
  func.func @_mid_body(%arg0: i32, %arg1: memref<1280x128xf32, #tpu.memory_space<vmem>>, %arg2: memref<1280x128xf32, #tpu.memory_space<vmem>>, %arg3: memref<1280x128xf32, #tpu.memory_space<vmem>>, %arg4: memref<1280x1xf32, #tpu.memory_space<vmem>>, %arg5: memref<1280x1xf32, #tpu.memory_space<vmem>>, %arg6: memref<128x128xf32, #tpu.memory_space<vmem>>, %arg7: memref<1x128xf32, #tpu.memory_space<vmem>>, %arg8: memref<1280x128xf32, #tpu.memory_space<vmem>>) attributes {dimension_semantics = [#tpu.dimension_semantics<arbitrary>], iteration_bounds = array<i64: 8>, scalar_prefetch = 0 : i64, scratch_operands = 0 : i64, tpu.core_type = #tpu.core_type<tc>, window_params = [{transform_indices = @transform_0, window_bounds = array<i64: 1280, 128>}, {transform_indices = @transform_1, window_bounds = array<i64: 1280, 128>}, {transform_indices = @transform_2, window_bounds = array<i64: 1280, 128>}, {transform_indices = @transform_3, window_bounds = array<i64: 1280, 1>}, {transform_indices = @transform_4, window_bounds = array<i64: 1280, 1>}, {pipeline_mode = #tpu.pipeline_mode<synchronous>, transform_indices = @transform_5, window_bounds = array<i64: 128, 128>}, {pipeline_mode = #tpu.pipeline_mode<synchronous>, transform_indices = @transform_6, window_bounds = array<i64: 1, 128>}, {transform_indices = @transform_7, window_bounds = array<i64: 1280, 128>}]} {
    %get3A = arith.constant 0 : index
    %get3A_0 = arith.constant 0 : index
    %get3A_1 = vector.load %arg4[%get3A, %get3A_0] : memref<1280x1xf32, #tpu.memory_space<vmem>>, vector<1280x1xf32>
    %get3A_2 = arith.constant 0 : index
    %get3A_3 = arith.constant 0 : index
    %get3A_4 = vector.load %arg5[%get3A_2, %get3A_3] : memref<1280x1xf32, #tpu.memory_space<vmem>>, vector<1280x1xf32>
    %add3A = arith.addf %get3A_1, %get3A_4 : vector<1280x1xf32>
    %add3A_5 = arith.constant 1.000000e+00 : f32
    %add3A_6 = vector.broadcast %add3A_5 : f32 to vector<1280x1xf32>
    %add3A_7 = arith.addf %add3A, %add3A_6 : vector<1280x1xf32>
    %rsqrt3A = math.rsqrt %add3A_7 : vector<1280x1xf32>
    %get3A_8 = arith.constant 0 : index
    %get3A_9 = arith.constant 0 : index
    %get3A_10 = vector.load %arg1[%get3A_8, %get3A_9] : memref<1280x128xf32, #tpu.memory_space<vmem>>, vector<1280x128xf32>
    %get3A_11 = arith.constant 0 : index
    %get3A_12 = arith.constant 0 : index
    %get3A_13 = vector.load %arg2[%get3A_11, %get3A_12] : memref<1280x128xf32, #tpu.memory_space<vmem>>, vector<1280x128xf32>
    %add3A_14 = arith.addf %get3A_10, %get3A_13 : vector<1280x128xf32>
    %get3A_15 = arith.constant 0 : index
    %get3A_16 = arith.constant 0 : index
    %get3A_17 = vector.load %arg3[%get3A_15, %get3A_16] : memref<1280x128xf32, #tpu.memory_space<vmem>>, vector<1280x128xf32>
    %add3A_18 = arith.addf %add3A_14, %get3A_17 : vector<1280x128xf32>
    %mul3A = vector.broadcast %rsqrt3A : vector<1280x1xf32> to vector<1280x128xf32>
    %mul3A_19 = arith.mulf %add3A_18, %mul3A : vector<1280x128xf32>
    %get3A_20 = arith.constant 0 : index
    %get3A_21 = arith.constant 0 : index
    %get3A_22 = vector.load %arg7[%get3A_20, %get3A_21] : memref<1x128xf32, #tpu.memory_space<vmem>>, vector<1x128xf32>
    %add3A_23 = vector.broadcast %get3A_22 : vector<1x128xf32> to vector<1280x128xf32>
    %add3A_24 = arith.addf %mul3A_19, %add3A_23 : vector<1280x128xf32>
    %max3A = arith.constant 0.000000e+00 : f32
    %max3A_25 = vector.broadcast %max3A : f32 to vector<1280x128xf32>
    %max3A_26 = arith.maximumf %add3A_24, %max3A_25 : vector<1280x128xf32>
    %get3A_27 = arith.constant 0 : index
    %get3A_28 = arith.constant 0 : index
    %get3A_29 = vector.load %arg6[%get3A_27, %get3A_28] : memref<128x128xf32, #tpu.memory_space<vmem>>, vector<128x128xf32>
    %dot_general3A = arith.constant dense<0.000000e+00> : vector<1280x128xf32>
    %dot_general3A_30 = tpu.matmul %max3A_26, %get3A_29, %dot_general3A {dimension_numbers = #tpu.dot_dimension_numbers<[1], [0], [0], [1], [0, 0, 1, 1], [], []>, precision = #tpu.contract_precision<fp32>, transpose_lhs_hint = false} : vector<1280x128xf32>, vector<128x128xf32>, vector<1280x128xf32> -> vector<1280x128xf32>
    %mul3A_31 = vector.broadcast %rsqrt3A : vector<1280x1xf32> to vector<1280x128xf32>
    %mul3A_32 = arith.mulf %dot_general3A_30, %mul3A_31 : vector<1280x128xf32>
    %swap3A = arith.constant 0 : index
    %swap3A_33 = arith.constant 0 : index
    %swap3A_34 = vector.load %arg8[%swap3A, %swap3A_33] : memref<1280x128xf32, #tpu.memory_space<vmem>>, vector<1280x128xf32>
    tpu.vector_store %arg8[%swap3A, %swap3A_33], %mul3A_32 {strides = array<i32>} : memref<1280x128xf32, #tpu.memory_space<vmem>>, vector<1280x128xf32>,
    return
  }
  func.func @transform_0(%arg0: i32) -> (i32, i32) {
    %c0_i32 = arith.constant 0 : i32
    %c0_i32_0 = arith.constant 0 : i32
    return %arg0, %c0_i32 : i32, i32
  }
  func.func @transform_1(%arg0: i32) -> (i32, i32) {
    %c0_i32 = arith.constant 0 : i32
    %c0_i32_0 = arith.constant 0 : i32
    return %arg0, %c0_i32 : i32, i32
  }
  func.func @transform_2(%arg0: i32) -> (i32, i32) {
    %c0_i32 = arith.constant 0 : i32
    %c0_i32_0 = arith.constant 0 : i32
    return %arg0, %c0_i32 : i32, i32
  }
  func.func @transform_3(%arg0: i32) -> (i32, i32) {
    %c0_i32 = arith.constant 0 : i32
    %c0_i32_0 = arith.constant 0 : i32
    return %arg0, %c0_i32 : i32, i32
  }
  func.func @transform_4(%arg0: i32) -> (i32, i32) {
    %c0_i32 = arith.constant 0 : i32
    %c0_i32_0 = arith.constant 0 : i32
    return %arg0, %c0_i32 : i32, i32
  }
  func.func @transform_5(%arg0: i32) -> (i32, i32) {
    %c0_i32 = arith.constant 0 : i32
    %c0_i32_0 = arith.constant 0 : i32
    %c0_i32_1 = arith.constant 0 : i32
    return %c0_i32, %c0_i32_0 : i32, i32
  }
  func.func @transform_6(%arg0: i32) -> (i32, i32) {
    %c0_i32 = arith.constant 0 : i32
    %c0_i32_0 = arith.constant 0 : i32
    %c0_i32_1 = arith.constant 0 : i32
    return %c0_i32, %c0_i32_0 : i32, i32
  }
  func.func @transform_7(%arg0: i32) -> (i32, i32) {
    %c0_i32 = arith.constant 0 : i32
    %c0_i32_0 = arith.constant 0 : i32
    return %arg0, %c0_i32 : i32, i32
  }
}

module attributes {stable_mosaic.version = 14 : i64} {
  func.func @_final_body(%arg0: i32, %arg1: memref<2000x128xf32, #tpu.memory_space<vmem>>, %arg2: memref<2000x128xf32, #tpu.memory_space<vmem>>, %arg3: memref<2000x128xf32, #tpu.memory_space<vmem>>, %arg4: memref<2000x1xf32, #tpu.memory_space<vmem>>, %arg5: memref<2000x1xf32, #tpu.memory_space<vmem>>, %arg6: memref<1x128xf32, #tpu.memory_space<vmem>>, %arg7: memref<2000x128xf32, #tpu.memory_space<vmem>>) attributes {dimension_semantics = [#tpu.dimension_semantics<arbitrary>], iteration_bounds = array<i64: 5>, scalar_prefetch = 0 : i64, scratch_operands = 0 : i64, tpu.core_type = #tpu.core_type<tc>, window_params = [{transform_indices = @transform_0, window_bounds = array<i64: 2000, 128>}, {transform_indices = @transform_1, window_bounds = array<i64: 2000, 128>}, {transform_indices = @transform_2, window_bounds = array<i64: 2000, 128>}, {transform_indices = @transform_3, window_bounds = array<i64: 2000, 1>}, {transform_indices = @transform_4, window_bounds = array<i64: 2000, 1>}, {pipeline_mode = #tpu.pipeline_mode<synchronous>, transform_indices = @transform_5, window_bounds = array<i64: 1, 128>}, {transform_indices = @transform_6, window_bounds = array<i64: 2000, 128>}]} {
    %get3A = arith.constant 0 : index
    %get3A_0 = arith.constant 0 : index
    %get3A_1 = vector.load %arg4[%get3A, %get3A_0] : memref<2000x1xf32, #tpu.memory_space<vmem>>, vector<2000x1xf32>
    %get3A_2 = arith.constant 0 : index
    %get3A_3 = arith.constant 0 : index
    %get3A_4 = vector.load %arg5[%get3A_2, %get3A_3] : memref<2000x1xf32, #tpu.memory_space<vmem>>, vector<2000x1xf32>
    %add3A = arith.addf %get3A_1, %get3A_4 : vector<2000x1xf32>
    %add3A_5 = arith.constant 1.000000e+00 : f32
    %add3A_6 = vector.broadcast %add3A_5 : f32 to vector<2000x1xf32>
    %add3A_7 = arith.addf %add3A, %add3A_6 : vector<2000x1xf32>
    %rsqrt3A = math.rsqrt %add3A_7 : vector<2000x1xf32>
    %get3A_8 = arith.constant 0 : index
    %get3A_9 = arith.constant 0 : index
    %get3A_10 = vector.load %arg1[%get3A_8, %get3A_9] : memref<2000x128xf32, #tpu.memory_space<vmem>>, vector<2000x128xf32>
    %get3A_11 = arith.constant 0 : index
    %get3A_12 = arith.constant 0 : index
    %get3A_13 = vector.load %arg2[%get3A_11, %get3A_12] : memref<2000x128xf32, #tpu.memory_space<vmem>>, vector<2000x128xf32>
    %add3A_14 = arith.addf %get3A_10, %get3A_13 : vector<2000x128xf32>
    %get3A_15 = arith.constant 0 : index
    %get3A_16 = arith.constant 0 : index
    %get3A_17 = vector.load %arg3[%get3A_15, %get3A_16] : memref<2000x128xf32, #tpu.memory_space<vmem>>, vector<2000x128xf32>
    %add3A_18 = arith.addf %add3A_14, %get3A_17 : vector<2000x128xf32>
    %mul3A = vector.broadcast %rsqrt3A : vector<2000x1xf32> to vector<2000x128xf32>
    %mul3A_19 = arith.mulf %add3A_18, %mul3A : vector<2000x128xf32>
    %get3A_20 = arith.constant 0 : index
    %get3A_21 = arith.constant 0 : index
    %get3A_22 = vector.load %arg6[%get3A_20, %get3A_21] : memref<1x128xf32, #tpu.memory_space<vmem>>, vector<1x128xf32>
    %add3A_23 = vector.broadcast %get3A_22 : vector<1x128xf32> to vector<2000x128xf32>
    %add3A_24 = arith.addf %mul3A_19, %add3A_23 : vector<2000x128xf32>
    %swap3A = arith.constant 0 : index
    %swap3A_25 = arith.constant 0 : index
    %swap3A_26 = vector.load %arg7[%swap3A, %swap3A_25] : memref<2000x128xf32, #tpu.memory_space<vmem>>, vector<2000x128xf32>
    tpu.vector_store %arg7[%swap3A, %swap3A_25], %add3A_24 {strides = array<i32>} : memref<2000x128xf32, #tpu.memory_space<vmem>>, vector<2000x128xf32>,
    return
  }
  func.func @transform_0(%arg0: i32) -> (i32, i32) {
    %c0_i32 = arith.constant 0 : i32
    %c0_i32_0 = arith.constant 0 : i32
    return %arg0, %c0_i32 : i32, i32
  }
  func.func @transform_1(%arg0: i32) -> (i32, i32) {
    %c0_i32 = arith.constant 0 : i32
    %c0_i32_0 = arith.constant 0 : i32
    return %arg0, %c0_i32 : i32, i32
  }
  func.func @transform_2(%arg0: i32) -> (i32, i32) {
    %c0_i32 = arith.constant 0 : i32
    %c0_i32_0 = arith.constant 0 : i32
    return %arg0, %c0_i32 : i32, i32
  }
  func.func @transform_3(%arg0: i32) -> (i32, i32) {
    %c0_i32 = arith.constant 0 : i32
    %c0_i32_0 = arith.constant 0 : i32
    return %arg0, %c0_i32 : i32, i32
  }
  func.func @transform_4(%arg0: i32) -> (i32, i32) {
    %c0_i32 = arith.constant 0 : i32
    %c0_i32_0 = arith.constant 0 : i32
    return %arg0, %c0_i32 : i32, i32
  }
  func.func @transform_5(%arg0: i32) -> (i32, i32) {
    %c0_i32 = arith.constant 0 : i32
    %c0_i32_0 = arith.constant 0 : i32
    %c0_i32_1 = arith.constant 0 : i32
    return %c0_i32, %c0_i32_0 : i32, i32
  }
  func.func @transform_6(%arg0: i32) -> (i32, i32) {
    %c0_i32 = arith.constant 0 : i32
    %c0_i32_0 = arith.constant 0 : i32
    return %arg0, %c0_i32 : i32, i32
  }
}

</mosaic_0001>

<sc_bundles>
// kernel: kernel.12.cloned.1.call-start
scs
__scs_entry_jumppad:
0x0: {  	(pc) =	sbr.rel $0x88, $3  }
0x1: {  	(tag) =	ssettag $0x0;
	lr =	simm.s32 $0x1  }
0x2: {  	[smem:$0x3F9B] =	sst lr;
	_ =	strace $0xD0000000  }
0x3: {  	_ = 	snop  }
0x4: {  	_ = 	snop  }
0x5: {  	_ = 	snop  }
0x6: {  	_ = 	snop  }
0x7: {  	_ = 	snop  }
__scs_overlays_trampoline_lowered:
0x8: {  	[smem:$0x3FAA] =	sst s0  }
0x9: {  	[smem:$0x3FAB] =	sst s1  }
0xa: {  	[smem:$0x3FAC] =	sst s2  }
0xb: {  	[smem:$0x3FAD] =	sst s3  }
0xc: {  	[smem:$0x3FAE] =	sst s4  }
0xd: {  	[smem:$0x3FAF] =	sst s5  }
0xe: {  	[smem:$0x3FB0] =	sst s6  }
0xf: {  	[smem:$0x3FB1] =	sst s7  }
0x10: {  	[smem:$0x3FB2] =	sst s8  }
0x11: {  	[smem:$0x3FB3] =	sst s9;
	s0 =	simm.s32 @!p0 $0x0  }
0x12: {  	s1 =	sld [smem:$0x3F99];
	s0 =	simm.s32 @p0 $0x1  }
0x13: {  	[smem:$0x3FB4] =	sst s0;
	s0 =	simm.s32 @!p1 $0x0  }
0x14: {  	s2 =	sld [smem:$0x3F98];
	s0 =	simm.s32 @p1 $0x1  }
0x15: {  	[smem:$0x3FB5] =	sst s0;
	s0 =	simm.s32 @!p2 $0x0  }
0x16: {  	s3 =	sld [smem:$0x3FDB];
	s0 =	simm.s32 @p2 $0x1  }
0x17: {  	s4 =	simm.s32 $0x1BF5;
	[smem:$0x3FB7] =	sst s0  }
0x18: {  	s0 =	sld [smem:$0x3F9A];
	_ =	swait.ge [sflag:s4], $0x0  }
0x19: {  	s7 =	sld [smem:$0x3F9B]  }
0x1a: {  	s8 =	sadd.s32 $0xFFFFE003, lr  }
0x1b: {  	s9 =	sadd.s32 $0xFFFFFEF7, lr;
	s5 =	simm.s32 $0xFFFFFFFF;
	p2 =	slt.u32 s8, $0xFFFFF086  }
0x1c: {  	p1 =	slt.u32 s9, $0xF7A;
	s5 =	simm.s32 @!p2 $0x0  }
0x1d: {  	s5 =	simm.s32 @p1 $0x1;
	p0 =	seq.s32 s7, s2  }
0x1e: {  	s7 =	smul.u32 @!p0 $0xF7A, s2;
	p2 =	seq.s32 @!p0 s5, $0x0  }
0x1f: {  	s9 =	smul.u32 $0xF7A, s1;
	s8 =	simm.s32 @!p0 $0x1BF5;
	p2 =	por !p2, p0  }
0x20: {  	[sflag:s8] =	ssyncset.s32 @!p0 $0xFFFFF086;
	s6 =	sadd.s32 @!p0 s3, s7;
	s7 =	simm.s32 @!p0 $0x108  }
0x21: {  	s3 =	sadd.s32 s3, s9;
	s6 =	sadd.s32 @!p0 $0x88, s6;
	s7 =	simm.s32 @p2 $0x1082  }
0x22: {  	[simem:s7], [sflag:s8] =	dma.local @!p0 [hbm:s6], $0xF7A  }
0x23: {  	s9 =	sor.u32 $0xD0000000, s2;
	s6 =	simm.s32 $0x108;
	_ =	swait.ge @!p0 [sflag:s8], $0x0  }
0x24: {  	s3 =	sadd.s32 $0x88, s3;
	s6 =	simm.s32 @!p1 $0x1082;
	[sflag:s4] =	ssyncset.s32 $0xFFFFF086  }
0x25: {  	[simem:s6], [sflag:s4] =	dma.local [hbm:s3], $0xF7A  }
0x26: {  	[smem:$0x3F9B] =	sst s1;
	(tag) =	ssettag s2;
	_ =	strace s9  }
0x27: {  	s1 =	sld [smem:$0x3FAB]  }
0x28: {  	s2 =	sld [smem:$0x3FAC]  }
0x29: {  	s4 =	sld [smem:$0x3FAE]  }
0x2a: {  	p0 =	seq.s32 s5, $0x0;
	s5 =	sld [smem:$0x3FAF]  }
0x2b: {  	s6 =	sld [smem:$0x3FB0]  }
0x2c: {  	s7 =	sld [smem:$0x3FB1]  }
0x2d: {  	s3 =	simm.s32 $0x108;
	s8 =	sld [smem:$0x3FB2]  }
0x2e: {  	s3 =	simm.s32 @!p0 $0x1082;
	s9 =	sld [smem:$0x3FB3]  }
0x2f: {  	lr =	sadd.s32 s0, s3;
	s0 =	sld [smem:$0x3FAA]  }
0x30: {  	s3 =	sld [smem:$0x3FAD]  }
0x31: {  	[smem:$0x3FB6] =	sst s10  }
0x32: {  	s10 =	sld [smem:$0x3FB4];
	_ =	sdelay $0x3  }
0x33: {  	p0 =	seq.s32 s10, $0x1;
	s10 =	sld [smem:$0x3FB6];
	_ =	sdelay $0x3  }
0x34: {  	[smem:$0x3FB6] =	sst s10  }
0x35: {  	s10 =	sld [smem:$0x3FB5];
	_ =	sdelay $0x3  }
0x36: {  	p1 =	seq.s32 s10, $0x1;
	s10 =	sld [smem:$0x3FB6];
	_ =	sdelay $0x3  }
0x37: {  	[smem:$0x3FB6] =	sst s10  }
0x38: {  	s10 =	sld [smem:$0x3FB7]  }
0x39: {  	_ = 	snop;
	(pc) =	sbr.ind lr, $3  }
0x3a: {  	_ = 	snop  }
0x3b: {  	_ = 	snop  }
0x3c: {  	p2 =	seq.s32 s10, $0x1;
	s10 =	sld [smem:$0x3FB6]  }
0x3d: {  	_ =	shalt  }
0x3e: {  	_ =	shalt  }
0x3f: {  	_ =	shalt  }
0x40: {  	_ =	shalt  }
0x41: {  	_ =	shalt  }
0x42: {  	_ =	shalt  }
0x43: {  	_ =	shalt  }
0x44: {  	_ =	shalt  }
0x45: {  	_ =	shalt  }
0x46: {  	_ =	shalt  }
0x47: {  	_ =	shalt  }
0x48: {  	_ =	shalt  }
0x49: {  	_ =	shalt  }
0x4a: {  	_ =	shalt  }
0x4b: {  	_ =	shalt  }
0x4c: {  	_ =	shalt  }
0x4d: {  	_ =	shalt  }
0x4e: {  	_ =	shalt  }
0x4f: {  	_ =	shalt  }
0x50: {  	_ =	shalt  }
0x51: {  	_ =	shalt  }
0x52: {  	_ =	shalt  }
0x53: {  	_ =	shalt  }
0x54: {  	_ =	shalt  }
0x55: {  	_ =	shalt  }
0x56: {  	_ =	shalt  }
0x57: {  	_ =	shalt  }
0x58: {  	_ =	shalt  }
0x59: {  	_ =	shalt  }
0x5a: {  	_ =	shalt  }
0x5b: {  	_ =	shalt  }
0x5c: {  	_ =	shalt  }
0x5d: {  	_ =	shalt  }
0x5e: {  	_ =	shalt  }
0x5f: {  	_ =	shalt  }
0x60: {  	_ =	shalt  }
0x61: {  	_ =	shalt  }
0x62: {  	_ =	shalt  }
0x63: {  	_ =	shalt  }
0x64: {  	_ =	shalt  }
0x65: {  	_ =	shalt  }
0x66: {  	_ =	shalt  }
0x67: {  	_ =	shalt  }
0x68: {  	_ =	shalt  }
0x69: {  	_ =	shalt  }
0x6a: {  	_ =	shalt  }
0x6b: {  	_ =	shalt  }
0x6c: {  	_ =	shalt  }
0x6d: {  	_ =	shalt  }
0x6e: {  	_ =	shalt  }
0x6f: {  	_ =	shalt  }
0x70: {  	_ =	shalt  }
0x71: {  	_ =	shalt  }
0x72: {  	_ =	shalt  }
0x73: {  	_ =	shalt  }
0x74: {  	_ =	shalt  }
0x75: {  	_ =	shalt  }
0x76: {  	_ =	shalt  }
0x77: {  	_ =	shalt  }
0x78: {  	_ =	shalt  }
0x79: {  	_ =	shalt  }
0x7a: {  	_ =	shalt  }
0x7b: {  	_ =	shalt  }
0x7c: {  	_ =	shalt  }
0x7d: {  	_ =	shalt  }
0x7e: {  	_ =	shalt  }
0x7f: {  	_ =	shalt  }
0x80: {  	_ =	shalt  }
0x81: {  	_ =	shalt  }
0x82: {  	_ =	shalt  }
0x83: {  	_ =	shalt  }
0x84: {  	_ =	shalt  }
0x85: {  	_ =	shalt  }
0x86: {  	_ =	shalt  }
0x87: {  	_ =	shalt  }
.Lfunc_end0:
.L_simem_size_0:
called_computation.1_lowered:
.L_overlay_start_0:
0x88: {  	s2 =	sld [smem:$0x3FD9]  }
0x89: {  	s3 =	sld [smem:$0x3FFE];
	_ =	sdelay $0x1  }
0x8a: {  	s1 =	srdreg.scid  }
0x8b: {  	s0 =	sand.u32 $0x1, s1  }
0x8c: {  	s17 =	sshll.u32 s0, $0xA;
	s2 =	sadd.s32 s3, s2  }
0x8d: {  	s2 =	sadd.s32 s2, s17  }
0x8e: {  	[smem:$0x3FC2] =	sst s2  }
0x8f: {  	_ = 	snop  }
0x90: {  	s2 =	sld [smem:$0x3FD0];
	(tm) =	ssettm $0x1  }
0x91: {  	s18 =	sld [smem:$0x3FFB];
	_ =	sdelay $0x3  }
0x92: {  	_ =	strace s18  }
0x93: {  	s3 =	sld [smem:$0x3FFC];
	_ =	sdelay $0x3  }
0x94: {  	_ =	strace s3  }
0x95: {  	s3 =	sld [smem:$0x3FFD];
	_ =	sdelay $0x3  }
0x96: {  	_ =	strace s3  }
0x97: {  	_ =	strace $0x8FFFFFFF  }
0x98: {  	s19 =	sld [smem:$0x3FDB];
	_ =	sdelay $0x1  }
0x99: {  	s4 =	simm.s32 $_scs_section_size  }
0x9a: {  	s5 =	simm.s32 $_size__tile_overlayer_lowered;
	s6 =	simm.s32 $_tile_overlayer_lowered  }
0x9b: {  	s22 =	simm.s32 $0x1BFF;
	s21 =	sshll.u32 s6, $0x1;
	s3 =	sadd.s32 s4, s19  }
0x9c: {  	s7 =	simm.s32 $0x0;
	s20 =	sshll.u32 s5, $0x1;
	s5 =	sadd.s32 s21, s3  }
0x9d: {  	[timem:s7], [sflag:s22] =	dma.local [hbm:s5], s20  }
0x9e: {  	_ =	swait.ge [sflag:s22], s20  }
0x9f: {  	s4 =	ssub.s32 $0x0, s20;
	[sflag:s22] =	ssyncset.done $0x0  }
0xa0: {  	[sflag:s22] =	ssyncadd.s32 s4;
	_ =	sdelay $0x1  }
0xa1: {  	s23 =	simm.s32 $0x1B8B  }
0xa2: {  	_ =	swait.ge [sflag:s23], $0x1  }
0xa3: {  	[sflag:s23] =	ssyncset.done $0x0  }
0xa4: {  	s25 =	simm.s32 $0x1B8E;
	s24 =	sld [smem:$0x3FFE];
	[sflag:s23] =	ssyncadd.s32 $0xFFFFFFFF  }
0xa5: {  	s26 =	simm.s32 $execute0_lowered;
	[smem:$0x3FD2] =	sst s25  }
0xa6: {  	s5 =	sshll.u32 s26, $0x1;
	_ =	strace $0x80000049;
	[dreg:$0x1] =	wrdreg $0xFFFFFFFF  }
0xa7: {  	s28 =	simm.s32 $_size_execute0_lowered;
	s3 =	sadd.s32 s3, s5;
	[dreg:$0x0] =	wrdreg $0x0  }
0xa8: {  	s5 =	sshll.u32 s28, $0x1;
	[dreg:$0x2] =	wrdreg s3  }
0xa9: {  	[dreg:$0x3] =	wrdreg s5  }
0xaa: {  	[dreg:$0x4] =	wrdreg $0xC0  }
0xab: {  	_ =	task [dreg:s7], $0x5FFFF  }
0xac: {  	[dreg:$0x1] =	wrdreg $0xFFFFFFFF  }
0xad: {  	[dreg:$0x0] =	wrdreg $0x60  }
0xae: {  	[dreg:$0x2] =	wrdreg s24  }
0xaf: {  	[dreg:$0x3] =	wrdreg s2  }
0xb0: {  	[dreg:$0x4] =	wrdreg $0xA8000  }
0xb1: {  	[dreg:$0x5] =	wrdreg $0x9  }
0xb2: {  	_ =	task.clear_ibuf [dreg:s7], $0x6FFFF;
	_ =	strace $0x90000049  }
0xb3: {  	s29 =	simm.s32 $0x9;
	_ =	strace $0x8000004B  }
0xb4: {  	_ =	swait.ge [sflag:s29], $0x1  }
0xb5: {  	[sflag:s29] =	ssyncadd.s32 $0xFFFFFFFF  }
0xb6: {  	_ =	strace $0x9000004B  }
0xb7: {  	_ =	sfence  }
0xb8: {  	s30 =	sld [smem:$0x0];
	_ =	sdelay $0x2  }
0xb9: {  	s31 =	sshll.u32 s1, $0xD;
	s1 =	sshrl.u32 s1, $0x2  }
0xba: {  	s3 =	sand.u32 $0x4000, s31;
	s1 =	sadd.s32 s1, s30  }
0xbb: {  	s0 =	sor.u32 s3, s0;
	s1 =	sshll.u32 s1, $0x11  }
0xbc: {  	s0 =	sor.u32 s1, s0  }
0xbd: {  	s0 =	sadd.s32 $0x8F2B, s0  }
0xbe: {  	[sflag:s0] =	ssyncadd.remote.s32 $0x1  }
0xbf: {  	_ =	sfence.sel $0xFFFF  }
0xc0: {  	[dreg:$0x0] =	wrdreg $0xFFFFFFFF;
	(pc) =	sbr.abs _section_cstart, $3  }
0xc1: {  	[dreg:$0x1] =	wrdreg $0xFFFFFFFF  }
0xc2: {  	_ =	task.clear_ibuf [dreg:s7], $0x2FFFF;
	_ =	strace $0x9FFFFFFF  }
0xc3: {  	(tm) =	ssettm $0x7FFFFFFF  }
tec
execute0_lowered:
.L_overlay_start_1:
0x0: {  	(tag) =	ssettag $0x1  }
0x1: {  	s0 =	rddreg [dreg:$0x0]  }
0x2: {  	s2 =	rddreg [dreg:$0x1]  }
0x3: {  	s1 =	srdreg.scid;
	s10 =	stileid.u32  }
0x4: {  	s3 =	rddreg [dreg:$0x2];
	s4 =	simm.s32 $0x0;
	s6 =	smul.u32 $0x14000, s10  }
0x5: {  	s28 =	simm.s32 $0x6800;
	s1 =	sand.u32 $0x1, s1;
	s8 =	smul.u32 $0x50000, s10  }
0x6: {  	s29 =	simm.s32 $0x180;
	[smem:$0x7FF] =	sst s4;
	s5 =	smul.u32 $0x140000, s1  }
0x7: {  	s30 =	simm.s32 $0x8800;
	_ =	strace $0x8000004A;
	s17 =	ssub.s32 $0x2, s1  }
0x8: {  	s9 =	sshrl.u32 s17, $0x1;
	s8 =	sshrl.u32 s8, $0x2;
	s6 =	sadd.s32 s6, s5  }
0x9: {  	s5 =	sadd.s32 $0x72200, s0;
	s9 =	ssub.s32 s17, s9;
	s7 =	sshrl.u32 s6, $0x3  }
0xa: {  	s6 =	sadd.s32 $0xE200, s0;
	s18 =	smax.u32 s9, $0x1;
	s0 =	sadd.s32 s7, s0  }
0xb: {  	s7 =	sadd.s32 s8, s3;
	[dreg:$0x5] =	wrdreg s18;
	s0 =	sadd.s32 $0x9A200, s0  }
0xc: {  	s31 =	simm.s32 $0x1;
	s19 =	sadd.s32 $0x2000, s7;
	[dreg:$0x4] =	wrdreg s0  }
0xd: {  	s11 =	simm.s32 $0x2680;
	s20 =	sadd.s32 $0x4000, s7;
	[dreg:$0x6] =	wrdreg s19  }
0xe: {  	s12 =	simm.s32 $0x2700;
	s21 =	sadd.s32 $0x6000, s7;
	[dreg:$0x7] =	wrdreg s20  }
0xf: {  	s13 =	simm.s32 $0x2780;
	s22 =	sadd.s32 $0x8000, s7;
	[dreg:$0x8] =	wrdreg s21  }
0x10: {  	s10 =	sshll.u32 s10, $0x1;
	s23 =	sadd.s32 $0xA000, s7;
	[dreg:$0x9] =	wrdreg s22  }
0x11: {  	s1 =	sor.u32 s1, s10;
	s24 =	sadd.s32 $0xC000, s7;
	[dreg:$0xa] =	wrdreg s23  }
0x12: {  	s10 =	simm.s32 $0x2600;
	s25 =	sadd.s32 $0xE000, s7;
	[dreg:$0xb] =	wrdreg s24  }
0x13: {  	s9 =	simm.s32 $0x4;
	s26 =	sadd.s32 $0x10000, s7;
	[dreg:$0xc] =	wrdreg s25  }
0x14: {  	s8 =	smul.u32 $0x5000, s1;
	s1 =	simm.s32 $0x3;
	[dreg:$0xd] =	wrdreg s26  }
0x15: {  	s19 =	sadd.s32 $0x12000, s7;
	s20 =	simm.s32 $0x2800;
	s21 =	simm.s32 $0x5  }
0x16: {  	s22 =	simm.s32 $0x1400;
	s23 =	simm.s32 $0x40;
	s24 =	simm.s32 $0x80  }
0x17: {  	v0 =	vimm.f32 $0.0e+00;
	s25 =	simm.s32 $0x4800;
	s26 =	simm.s32 $0x100;
	s0 =	simm.s32 $0x2  }
.LBB2_1:
0x18: {  	s14 =	simm.s32 $0x0;
	s15 =	simm.s32 $0x200  }
.LBB2_2:
0x19: {  	p0 =	sne.s32 s15, $0x7E00;
	[tilespmem:s14+$0x2870] =	vst v0  }
0x1a: {  	[tilespmem:s14+$0x2800] =	vst v0  }
0x1b: {  	[tilespmem:s14+$0x2810] =	vst v0  }
.Ltmp0:
0x1c: {  	[tilespmem:s14+$0x2820] =	vst v0;
	(pc) =	sbr.rel @p0 .LBB2_2-.Ltmp0, $4  }
0x1d: {  	[tilespmem:s14+$0x2830] =	vst v0  }
0x1e: {  	[tilespmem:s14+$0x2840] =	vst v0  }
0x1f: {  	[tilespmem:s14+$0x2850] =	vst v0  }
0x20: {  	[tilespmem:s14+$0x2860] =	vst v0;
	s14 =	sshra.s32 s15, $0x2;
	s15 =	sadd.s32 $0x200, s15  }
0x21: {  	[tilespmem:s14+$0x2870] =	vst v0  }
0x22: {  	[tilespmem:s14+$0x2800] =	vst v0  }
0x23: {  	[tilespmem:s14+$0x2810] =	vst v0  }
0x24: {  	[tilespmem:s14+$0x2820] =	vst v0  }
0x25: {  	[tilespmem:s14+$0x2830] =	vst v0  }
0x26: {  	[tilespmem:s14+$0x2840] =	vst v0  }
0x27: {  	[tilespmem:s14+$0x2850] =	vst v0  }
0x28: {  	[tilespmem:s14+$0x2860] =	vst v0  }
0x29: {  	[spmem:s7] =	stream.linear.scatter [tilespmem:s20], [sflag:$0x5], $0x2000, $0x38;
	[tilespmem:$0x1E800] =	vst v63  }
0x2a: {  	_ =	swait.ge [sflag:s21], $0x2000  }
0x2b: {  	[sflag:s21] =	ssyncset.done $0x0  }
0x2c: {  	s15 =	rddreg [dreg:$0x6];
	[sflag:s21] =	ssyncadd.s32 $0xFFFFE000  }
0x2d: {  	[spmem:s15] =	stream.linear.scatter [tilespmem:s20], [sflag:$0x5], $0x2000, $0x38;
	[tilespmem:$0x1E800] =	vst v63  }
0x2e: {  	_ =	swait.ge [sflag:s21], $0x2000  }
0x2f: {  	[sflag:s21] =	ssyncset.done $0x0  }
0x30: {  	s16 =	rddreg [dreg:$0x7];
	[sflag:s21] =	ssyncadd.s32 $0xFFFFE000  }
0x31: {  	[spmem:s16] =	stream.linear.scatter [tilespmem:s20], [sflag:$0x5], $0x2000, $0x38;
	[tilespmem:$0x1E800] =	vst v63  }
0x32: {  	_ =	swait.ge [sflag:s21], $0x2000  }
0x33: {  	[sflag:s21] =	ssyncset.done $0x0  }
0x34: {  	s17 =	rddreg [dreg:$0x8];
	[sflag:s21] =	ssyncadd.s32 $0xFFFFE000  }
0x35: {  	[spmem:s17] =	stream.linear.scatter [tilespmem:s20], [sflag:$0x5], $0x2000, $0x38;
	[tilespmem:$0x1E800] =	vst v63  }
0x36: {  	_ =	swait.ge [sflag:s21], $0x2000  }
0x37: {  	[sflag:s21] =	ssyncset.done $0x0  }
0x38: {  	s18 =	rddreg [dreg:$0x9];
	[sflag:s21] =	ssyncadd.s32 $0xFFFFE000  }
0x39: {  	[spmem:s18] =	stream.linear.scatter [tilespmem:s20], [sflag:$0x5], $0x2000, $0x38;
	[tilespmem:$0x1E800] =	vst v63  }
0x3a: {  	_ =	swait.ge [sflag:s21], $0x2000  }
0x3b: {  	[sflag:s21] =	ssyncset.done $0x0  }
0x3c: {  	s15 =	rddreg [dreg:$0xa];
	[sflag:s21] =	ssyncadd.s32 $0xFFFFE000  }
0x3d: {  	[spmem:s15] =	stream.linear.scatter [tilespmem:s20], [sflag:$0x5], $0x2000, $0x38;
	[tilespmem:$0x1E800] =	vst v63  }
0x3e: {  	_ =	swait.ge [sflag:s21], $0x2000  }
0x3f: {  	[sflag:s21] =	ssyncset.done $0x0  }
0x40: {  	s16 =	rddreg [dreg:$0xb];
	[sflag:s21] =	ssyncadd.s32 $0xFFFFE000  }
0x41: {  	[spmem:s16] =	stream.linear.scatter [tilespmem:s20], [sflag:$0x5], $0x2000, $0x38;
	[tilespmem:$0x1E800] =	vst v63  }
0x42: {  	_ =	swait.ge [sflag:s21], $0x2000  }
0x43: {  	[sflag:s21] =	ssyncset.done $0x0  }
0x44: {  	s17 =	rddreg [dreg:$0xc];
	[sflag:s21] =	ssyncadd.s32 $0xFFFFE000  }
0x45: {  	[spmem:s17] =	stream.linear.scatter [tilespmem:s20], [sflag:$0x5], $0x2000, $0x38;
	[tilespmem:$0x1E800] =	vst v63  }
0x46: {  	_ =	swait.ge [sflag:s21], $0x2000  }
0x47: {  	[sflag:s21] =	ssyncset.done $0x0  }
0x48: {  	s18 =	rddreg [dreg:$0xd];
	[sflag:s21] =	ssyncadd.s32 $0xFFFFE000  }
0x49: {  	[spmem:s18] =	stream.linear.scatter [tilespmem:s20], [sflag:$0x5], $0x2000, $0x38;
	[tilespmem:$0x1E800] =	vst v63  }
0x4a: {  	_ =	swait.ge [sflag:s21], $0x2000  }
0x4b: {  	[sflag:s21] =	ssyncset.done $0x0  }
0x4c: {  	[sflag:s21] =	ssyncadd.s32 $0xFFFFE000  }
0x4d: {  	[spmem:s19] =	stream.linear.scatter [tilespmem:s20], [sflag:$0x5], $0x2000, $0x38;
	[tilespmem:$0x1E800] =	vst v63  }
0x4e: {  	_ =	swait.ge [sflag:s21], $0x2000  }
0x4f: {  	[sflag:s21] =	ssyncset.done $0x0  }
0x50: {  	[sflag:s21] =	ssyncadd.s32 $0xFFFFE000  }
0x51: {  	s14 =	simm.s32 $0x0;
	s15 =	simm.s32 $0x0;
	[bflag:$0x0] =	sbarrier.arrive $0xFFFF  }
.LBB2_4:
0x52: {  	s16 =	smul.u32 $0x1400, s15;
	_ =	sdelay $0x1  }
0x53: {  	s16 =	sadd.s32 s8, s16  }
0x54: {  	s16 =	sshrl.u32 s16, $0x3  }
0x55: {  	s17 =	sadd.s32 s2, s16  }
0x56: {  	[tilespmem:s14], [sflag:$0x5] =	stream.linear.gather [hbm4b:s17+s14], $0x1400, $0x38;
	[tilespmem:$0x1E800] =	vst v63  }
0x57: {  	_ =	swait.ge [sflag:s21], $0x1400  }
0x58: {  	[sflag:s21] =	ssyncset.done $0x0  }
0x59: {  	s16 =	sadd.s32 s6, s16;
	[sflag:s21] =	ssyncadd.s32 $0xFFFFEC00  }
0x5a: {  	[tilespmem:s22], [sflag:$0x5] =	stream.linear.gather [hbm4b:s16+s14], $0x1400, $0x38;
	[tilespmem:$0x1E800] =	vst v63  }
0x5b: {  	_ =	swait.ge [sflag:s21], $0x1400  }
0x5c: {  	[sflag:s21] =	ssyncset.done $0x0  }
0x5d: {  	[sflag:s21] =	ssyncadd.s32 $0xFFFFEC00  }
0x5e: {  	[tilespmem:s20], [sflag:$0x1] =	stream.indirect.gather [hbm4b:s5+s23], $0x80, s14, s23, $0xb8;
	[tilespmem:$0x1E800] =	vst v63  }
0x5f: {  	_ = 	snop  }
0x60: {  	[tilespmem:s25], [sflag:$0x2] =	stream.indirect.gather [hbm4b:s5+s23], $0x80, s24, s23, $0xb8;
	[tilespmem:$0x1E800] =	vst v63  }
0x61: {  	_ = 	snop  }
0x62: {  	[tilespmem:s28], [sflag:$0x3] =	stream.indirect.gather [hbm4b:s5+s23], $0x80, s26, s23, $0xb8;
	[tilespmem:$0x1E800] =	vst v63  }
0x63: {  	_ = 	snop  }
0x64: {  	[tilespmem:s30], [sflag:$0x4] =	stream.indirect.gather [hbm4b:s5+s23], $0x80, s29, s23, $0xb8;
	[tilespmem:$0x1E800] =	vst v63  }
0x65: {  	_ =	swait.ge [sflag:s31], $0x2000  }
0x66: {  	[sflag:s31] =	ssyncset.done $0x0  }
0x67: {  	s18 =	simm.s32 $0x1400;
	[sflag:s31] =	ssyncadd.s32 $0xFFFFE000  }
0x68: {  	[spmem:s3] =	stream.indirect.scatter.add.f32 [tilespmem:s20], [sflag:$0x5], $0x80, s18, s23, $0xb8;
	[tilespmem:$0x1E800] =	vst v63  }
0x69: {  	_ =	swait.ge [sflag:s21], $0x2000  }
0x6a: {  	[sflag:s21] =	ssyncset.done $0x0  }
0x6b: {  	s17 =	simm.s32 $0x200;
	[sflag:s21] =	ssyncadd.s32 $0xFFFFE000  }
0x6c: {  	[tilespmem:s20], [sflag:$0x1] =	stream.indirect.gather [hbm4b:s5+s23], $0x80, s17, s23, $0xb8;
	[tilespmem:$0x1E800] =	vst v63  }
0x6d: {  	_ =	swait.ge [sflag:s0], $0x2000  }
0x6e: {  	[sflag:s0] =	ssyncset.done $0x0  }
0x6f: {  	s18 =	simm.s32 $0x1480;
	[sflag:s0] =	ssyncadd.s32 $0xFFFFE000  }
0x70: {  	[spmem:s3] =	stream.indirect.scatter.add.f32 [tilespmem:s25], [sflag:$0x5], $0x80, s18, s23, $0xb8;
	[tilespmem:$0x1E800] =	vst v63  }
0x71: {  	_ =	swait.ge [sflag:s21], $0x2000  }
0x72: {  	[sflag:s21] =	ssyncset.done $0x0  }
0x73: {  	s17 =	simm.s32 $0x280;
	[sflag:s21] =	ssyncadd.s32 $0xFFFFE000  }
0x74: {  	[tilespmem:s25], [sflag:$0x2] =	stream.indirect.gather [hbm4b:s5+s23], $0x80, s17, s23, $0xb8;
	[tilespmem:$0x1E800] =	vst v63  }
0x75: {  	_ =	swait.ge [sflag:s1], $0x2000  }
0x76: {  	[sflag:s1] =	ssyncset.done $0x0  }
0x77: {  	s18 =	simm.s32 $0x1500;
	[sflag:s1] =	ssyncadd.s32 $0xFFFFE000  }
0x78: {  	[spmem:s3] =	stream.indirect.scatter.add.f32 [tilespmem:s28], [sflag:$0x5], $0x80, s18, s23, $0xb8;
	[tilespmem:$0x1E800] =	vst v63  }
0x79: {  	_ =	swait.ge [sflag:s21], $0x2000  }
0x7a: {  	[sflag:s21] =	ssyncset.done $0x0  }
0x7b: {  	s17 =	simm.s32 $0x300;
	[sflag:s21] =	ssyncadd.s32 $0xFFFFE000  }
0x7c: {  	[tilespmem:s28], [sflag:$0x3] =	stream.indirect.gather [hbm4b:s5+s23], $0x80, s17, s23, $0xb8;
	[tilespmem:$0x1E800] =	vst v63  }
0x7d: {  	_ =	swait.ge [sflag:s9], $0x2000  }
0x7e: {  	[sflag:s9] =	ssyncset.done $0x0  }
0x7f: {  	s18 =	simm.s32 $0x1580;
	[sflag:s9] =	ssyncadd.s32 $0xFFFFE000  }
0x80: {  	[spmem:s3] =	stream.indirect.scatter.add.f32 [tilespmem:s30], [sflag:$0x5], $0x80, s18, s23, $0xb8;
	[tilespmem:$0x1E800] =	vst v63  }
0x81: {  	_ =	swait.ge [sflag:s21], $0x2000  }
0x82: {  	[sflag:s21] =	ssyncset.done $0x0  }
0x83: {  	s16 =	simm.s32 $0x800;
	s17 =	simm.s32 $0x380;
	[sflag:s21] =	ssyncadd.s32 $0xFFFFE000  }
.LBB2_5:
0x84: {  	[tilespmem:s30], [sflag:$0x4] =	stream.indirect.gather [hbm4b:s5+s23], $0x80, s17, s23, $0xb8;
	[tilespmem:$0x1E800] =	vst v63  }
0x85: {  	s17 =	smov.u32 s16  }
0x86: {  	p0 =	sne.s32 s16, $0x4000;
	s16 =	sadd.s32 $0x800, s16;
	_ =	swait.ge [sflag:s31], $0x2000  }
0x87: {  	s17 =	sshra.s32 s17, $0x2;
	[sflag:s31] =	ssyncset.done $0x0  }
0x88: {  	s18 =	sadd.s32 $0x1400, s17;
	[sflag:s31] =	ssyncadd.s32 $0xFFFFE000  }
0x89: {  	[spmem:s3] =	stream.indirect.scatter.add.f32 [tilespmem:s20], [sflag:$0x5], $0x80, s18, s23, $0xb8;
	[tilespmem:$0x1E800] =	vst v63  }
0x8a: {  	_ =	swait.ge [sflag:s21], $0x2000  }
0x8b: {  	[sflag:s21] =	ssyncset.done $0x0  }
0x8c: {  	s18 =	sadd.s32 $0x200, s17;
	[sflag:s21] =	ssyncadd.s32 $0xFFFFE000  }
0x8d: {  	[tilespmem:s20], [sflag:$0x1] =	stream.indirect.gather [hbm4b:s5+s23], $0x80, s18, s23, $0xb8;
	[tilespmem:$0x1E800] =	vst v63  }
0x8e: {  	_ =	swait.ge [sflag:s0], $0x2000  }
0x8f: {  	[sflag:s0] =	ssyncset.done $0x0  }
0x90: {  	s18 =	sadd.s32 $0x1480, s17;
	[sflag:s0] =	ssyncadd.s32 $0xFFFFE000  }
0x91: {  	[spmem:s3] =	stream.indirect.scatter.add.f32 [tilespmem:s25], [sflag:$0x5], $0x80, s18, s23, $0xb8;
	[tilespmem:$0x1E800] =	vst v63  }
0x92: {  	_ =	swait.ge [sflag:s21], $0x2000  }
0x93: {  	[sflag:s21] =	ssyncset.done $0x0  }
0x94: {  	s18 =	sadd.s32 $0x280, s17;
	[sflag:s21] =	ssyncadd.s32 $0xFFFFE000  }
0x95: {  	[tilespmem:s25], [sflag:$0x2] =	stream.indirect.gather [hbm4b:s5+s23], $0x80, s18, s23, $0xb8;
	[tilespmem:$0x1E800] =	vst v63  }
0x96: {  	_ =	swait.ge [sflag:s1], $0x2000  }
0x97: {  	[sflag:s1] =	ssyncset.done $0x0  }
0x98: {  	s18 =	sadd.s32 $0x1500, s17;
	[sflag:s1] =	ssyncadd.s32 $0xFFFFE000  }
0x99: {  	[spmem:s3] =	stream.indirect.scatter.add.f32 [tilespmem:s28], [sflag:$0x5], $0x80, s18, s23, $0xb8;
	[tilespmem:$0x1E800] =	vst v63  }
0x9a: {  	_ =	swait.ge [sflag:s21], $0x2000  }
0x9b: {  	[sflag:s21] =	ssyncset.done $0x0  }
0x9c: {  	s18 =	sadd.s32 $0x300, s17;
	[sflag:s21] =	ssyncadd.s32 $0xFFFFE000  }
0x9d: {  	[tilespmem:s28], [sflag:$0x3] =	stream.indirect.gather [hbm4b:s5+s23], $0x80, s18, s23, $0xb8;
	[tilespmem:$0x1E800] =	vst v63  }
0x9e: {  	_ =	swait.ge [sflag:s9], $0x2000  }
0x9f: {  	[sflag:s9] =	ssyncset.done $0x0  }
.Ltmp1:
0xa0: {  	s18 =	sadd.s32 $0x1580, s17;
	[sflag:s9] =	ssyncadd.s32 $0xFFFFE000;
	(pc) =	sbr.rel @p0 .LBB2_5-.Ltmp1, $4  }
0xa1: {  	[spmem:s3] =	stream.indirect.scatter.add.f32 [tilespmem:s30], [sflag:$0x5], $0x80, s18, s23, $0xb8;
	[tilespmem:$0x1E800] =	vst v63  }
0xa2: {  	_ =	swait.ge [sflag:s21], $0x2000  }
0xa3: {  	[sflag:s21] =	ssyncset.done $0x0  }
0xa4: {  	s17 =	sadd.s32 $0x380, s17;
	[sflag:s21] =	ssyncadd.s32 $0xFFFFE000  }
0xa5: {  	[tilespmem:s30], [sflag:$0x4] =	stream.indirect.gather [hbm4b:s5+s23], $0x80, s17, s23, $0xb8;
	[tilespmem:$0x1E800] =	vst v63  }
0xa6: {  	_ =	swait.ge [sflag:s31], $0x2000  }
0xa7: {  	[sflag:s31] =	ssyncset.done $0x0  }
0xa8: {  	[sflag:s31] =	ssyncadd.s32 $0xFFFFE000  }
0xa9: {  	[spmem:s3] =	stream.indirect.scatter.add.f32 [tilespmem:s20], [sflag:$0x5], $0x80, s10, s23, $0xb8;
	[tilespmem:$0x1E800] =	vst v63  }
0xaa: {  	_ =	swait.ge [sflag:s21], $0x2000  }
0xab: {  	[sflag:s21] =	ssyncset.done $0x0  }
0xac: {  	[sflag:s21] =	ssyncadd.s32 $0xFFFFE000  }
0xad: {  	_ =	swait.ge [sflag:s0], $0x2000  }
0xae: {  	[sflag:s0] =	ssyncset.done $0x0  }
0xaf: {  	[sflag:s0] =	ssyncadd.s32 $0xFFFFE000  }
0xb0: {  	[spmem:s3] =	stream.indirect.scatter.add.f32 [tilespmem:s25], [sflag:$0x5], $0x80, s11, s23, $0xb8;
	[tilespmem:$0x1E800] =	vst v63  }
0xb1: {  	_ =	swait.ge [sflag:s21], $0x2000  }
0xb2: {  	[sflag:s21] =	ssyncset.done $0x0  }
0xb3: {  	[sflag:s21] =	ssyncadd.s32 $0xFFFFE000  }
0xb4: {  	_ =	swait.ge [sflag:s1], $0x2000  }
0xb5: {  	[sflag:s1] =	ssyncset.done $0x0  }
0xb6: {  	[sflag:s1] =	ssyncadd.s32 $0xFFFFE000  }
0xb7: {  	[spmem:s3] =	stream.indirect.scatter.add.f32 [tilespmem:s28], [sflag:$0x5], $0x80, s12, s23, $0xb8;
	[tilespmem:$0x1E800] =	vst v63  }
0xb8: {  	_ =	swait.ge [sflag:s21], $0x2000  }
0xb9: {  	[sflag:s21] =	ssyncset.done $0x0  }
0xba: {  	[sflag:s21] =	ssyncadd.s32 $0xFFFFE000  }
0xbb: {  	s15 =	sadd.s32 $0x1, s15;
	_ =	swait.ge [sflag:s9], $0x2000  }
0xbc: {  	p0 =	sne.s32 s15, $0x4;
	[sflag:s9] =	ssyncset.done $0x0  }
.Ltmp2:
0xbd: {  	[sflag:s9] =	ssyncadd.s32 $0xFFFFE000;
	(pc) =	sbr.rel @p0 .LBB2_4-.Ltmp2, $4  }
0xbe: {  	[spmem:s3] =	stream.indirect.scatter.add.f32 [tilespmem:s30], [sflag:$0x5], $0x80, s13, s23, $0xb8;
	[tilespmem:$0x1E800] =	vst v63  }
0xbf: {  	_ =	swait.ge [sflag:s21], $0x2000  }
0xc0: {  	[sflag:s21] =	ssyncset.done $0x0  }
0xc1: {  	[sflag:s21] =	ssyncadd.s32 $0xFFFFE000  }
0xc2: {  	s14 =	stileid.u32  }
0xc3: {  	[bflag:$0x0] =	sbarrier.arrive $0xFFFF;
	s14 =	sshll.u32 s14, $0x6  }
0xc4: {  	s15 =	sshrl.u32 s7, $0x3;
	s16 =	rddreg [dreg:$0x4];
	s14 =	sor.u32 $0x1C05, s14  }
0xc5: {  	[hbm:s16], [sflag:s14] =	dma.local [spmem:s15], $0x2800  }
0xc6: {  	_ =	swait.ge [sflag:s21], $0x2800  }
0xc7: {  	s4 =	sadd.s32 $0x1, s4;
	s18 =	rddreg [dreg:$0x5]  }
0xc8: {  	p0 =	sne.s32 s4, s18  }
.Ltmp3:
0xc9: {  	_ = 	snop;
	(pc) =	sbr.rel @p0 .LBB2_1-.Ltmp3, $3  }
0xca: {  	_ =	sdelay $0x1  }
0xcb: {  	[sflag:s21] =	ssyncset.done $0x0  }
0xcc: {  	[sflag:s21] =	ssyncadd.s32 $0xFFFFD800  }
0xcd: {  	_ =	sfence.sel $0x180000  }
0xce: {  	[bflag:$0x0] =	sbarrier.arrive $0xFFFF  }
0xcf: {  	_ =	strace $0x9000004A  }
0xd0: {  	s0 =	stileid.u32;
	[bflag:$0x2] =	sbarrier.arrive $0xFFFF  }
0xd1: {  	p0 =	sne.s32 s0, $0x0;
	s0 =	rddreg [dreg:$0x3]  }
0xd2: {  	s0 =	sadd.s32 @!p0 $0x100000, s0  }
0xd3: {  	[sflag:s0] =	ssyncadd.tile.s32 @!p0 $0x1;
	_ =	shalt  }
.Lfunc_end2:
_tile_overlayer_lowered:
.L_overlay_start_2:
0xd4: {  	(tag) =	ssettag $0x2  }
0xd5: {  	s0 =	rddreg [dreg:$0x0];
	s2 =	stileid.u32  }
0xd6: {  	s1 =	rddreg [dreg:$0x1];
	p0 =	sne.s32 s2, $0x0  }
0xd7: {  	s3 =	rddreg [dreg:$0x2];
	[bflag:$0x3] =	sbarrier.arrive $0xFFFF;
	s2 =	simm.s32 @!p0 $0x1C05  }
0xd8: {  	[timem:s3], [sflag:s2] =	dma.local @!p0 [hbm:s0], s1  }
0xd9: {  	s0 =	simm.s32 @!p0 $0x5  }
0xda: {  	_ =	swait.ge @!p0 [sflag:s0], s1  }
0xdb: {  	s1 =	ssub.s32 @!p0 $0x0, s1;
	[sflag:s0] =	ssyncset.done @!p0 $0x0  }
0xdc: {  	[sflag:s0] =	ssyncadd.s32 @!p0 s1  }
0xdd: {  	[bflag:$0x3] =	sbarrier.arrive $0xFFFF  }
0xde: {  	_ =	shalt  }

// kernel: kernel.15.cloned.1.call-start
scs
__scs_entry_jumppad:
0x0: {  	(pc) =	sbr.rel $0x88, $3  }
0x1: {  	(tag) =	ssettag $0x0;
	lr =	simm.s32 $0x1  }
0x2: {  	[smem:$0x3F9B] =	sst lr;
	_ =	strace $0xD0000000  }
0x3: {  	_ = 	snop  }
0x4: {  	_ = 	snop  }
0x5: {  	_ = 	snop  }
0x6: {  	_ = 	snop  }
0x7: {  	_ = 	snop  }
__scs_overlays_trampoline_lowered:
0x8: {  	[smem:$0x3FAA] =	sst s0  }
0x9: {  	[smem:$0x3FAB] =	sst s1  }
0xa: {  	[smem:$0x3FAC] =	sst s2  }
0xb: {  	[smem:$0x3FAD] =	sst s3  }
0xc: {  	[smem:$0x3FAE] =	sst s4  }
0xd: {  	[smem:$0x3FAF] =	sst s5  }
0xe: {  	[smem:$0x3FB0] =	sst s6  }
0xf: {  	[smem:$0x3FB1] =	sst s7  }
0x10: {  	[smem:$0x3FB2] =	sst s8  }
0x11: {  	[smem:$0x3FB3] =	sst s9;
	s0 =	simm.s32 @!p0 $0x0  }
0x12: {  	s1 =	sld [smem:$0x3F99];
	s0 =	simm.s32 @p0 $0x1  }
0x13: {  	[smem:$0x3FB4] =	sst s0;
	s0 =	simm.s32 @!p1 $0x0  }
0x14: {  	s2 =	sld [smem:$0x3F98];
	s0 =	simm.s32 @p1 $0x1  }
0x15: {  	[smem:$0x3FB5] =	sst s0;
	s0 =	simm.s32 @!p2 $0x0  }
0x16: {  	s3 =	sld [smem:$0x3FDB];
	s0 =	simm.s32 @p2 $0x1  }
0x17: {  	s4 =	simm.s32 $0x1BF5;
	[smem:$0x3FB7] =	sst s0  }
0x18: {  	s0 =	sld [smem:$0x3F9A];
	_ =	swait.ge [sflag:s4], $0x0  }
0x19: {  	s7 =	sld [smem:$0x3F9B]  }
0x1a: {  	s8 =	sadd.s32 $0xFFFFE003, lr  }
0x1b: {  	s9 =	sadd.s32 $0xFFFFFEF7, lr;
	s5 =	simm.s32 $0xFFFFFFFF;
	p2 =	slt.u32 s8, $0xFFFFF086  }
0x1c: {  	p1 =	slt.u32 s9, $0xF7A;
	s5 =	simm.s32 @!p2 $0x0  }
0x1d: {  	s5 =	simm.s32 @p1 $0x1;
	p0 =	seq.s32 s7, s2  }
0x1e: {  	s7 =	smul.u32 @!p0 $0xF7A, s2;
	p2 =	seq.s32 @!p0 s5, $0x0  }
0x1f: {  	s9 =	smul.u32 $0xF7A, s1;
	s8 =	simm.s32 @!p0 $0x1BF5;
	p2 =	por !p2, p0  }
0x20: {  	[sflag:s8] =	ssyncset.s32 @!p0 $0xFFFFF086;
	s6 =	sadd.s32 @!p0 s3, s7;
	s7 =	simm.s32 @!p0 $0x108  }
0x21: {  	s3 =	sadd.s32 s3, s9;
	s6 =	sadd.s32 @!p0 $0x88, s6;
	s7 =	simm.s32 @p2 $0x1082  }
0x22: {  	[simem:s7], [sflag:s8] =	dma.local @!p0 [hbm:s6], $0xF7A  }
0x23: {  	s9 =	sor.u32 $0xD0000000, s2;
	s6 =	simm.s32 $0x108;
	_ =	swait.ge @!p0 [sflag:s8], $0x0  }
0x24: {  	s3 =	sadd.s32 $0x88, s3;
	s6 =	simm.s32 @!p1 $0x1082;
	[sflag:s4] =	ssyncset.s32 $0xFFFFF086  }
0x25: {  	[simem:s6], [sflag:s4] =	dma.local [hbm:s3], $0xF7A  }
0x26: {  	[smem:$0x3F9B] =	sst s1;
	(tag) =	ssettag s2;
	_ =	strace s9  }
0x27: {  	s1 =	sld [smem:$0x3FAB]  }
0x28: {  	s2 =	sld [smem:$0x3FAC]  }
0x29: {  	s4 =	sld [smem:$0x3FAE]  }
0x2a: {  	p0 =	seq.s32 s5, $0x0;
	s5 =	sld [smem:$0x3FAF]  }
0x2b: {  	s6 =	sld [smem:$0x3FB0]  }
0x2c: {  	s7 =	sld [smem:$0x3FB1]  }
0x2d: {  	s3 =	simm.s32 $0x108;
	s8 =	sld [smem:$0x3FB2]  }
0x2e: {  	s3 =	simm.s32 @!p0 $0x1082;
	s9 =	sld [smem:$0x3FB3]  }
0x2f: {  	lr =	sadd.s32 s0, s3;
	s0 =	sld [smem:$0x3FAA]  }
0x30: {  	s3 =	sld [smem:$0x3FAD]  }
0x31: {  	[smem:$0x3FB6] =	sst s10  }
0x32: {  	s10 =	sld [smem:$0x3FB4];
	_ =	sdelay $0x3  }
0x33: {  	p0 =	seq.s32 s10, $0x1;
	s10 =	sld [smem:$0x3FB6];
	_ =	sdelay $0x3  }
0x34: {  	[smem:$0x3FB6] =	sst s10  }
0x35: {  	s10 =	sld [smem:$0x3FB5];
	_ =	sdelay $0x3  }
0x36: {  	p1 =	seq.s32 s10, $0x1;
	s10 =	sld [smem:$0x3FB6];
	_ =	sdelay $0x3  }
0x37: {  	[smem:$0x3FB6] =	sst s10  }
0x38: {  	s10 =	sld [smem:$0x3FB7]  }
0x39: {  	_ = 	snop;
	(pc) =	sbr.ind lr, $3  }
0x3a: {  	_ = 	snop  }
0x3b: {  	_ = 	snop  }
0x3c: {  	p2 =	seq.s32 s10, $0x1;
	s10 =	sld [smem:$0x3FB6]  }
0x3d: {  	_ =	shalt  }
0x3e: {  	_ =	shalt  }
0x3f: {  	_ =	shalt  }
0x40: {  	_ =	shalt  }
0x41: {  	_ =	shalt  }
0x42: {  	_ =	shalt  }
0x43: {  	_ =	shalt  }
0x44: {  	_ =	shalt  }
0x45: {  	_ =	shalt  }
0x46: {  	_ =	shalt  }
0x47: {  	_ =	shalt  }
0x48: {  	_ =	shalt  }
0x49: {  	_ =	shalt  }
0x4a: {  	_ =	shalt  }
0x4b: {  	_ =	shalt  }
0x4c: {  	_ =	shalt  }
0x4d: {  	_ =	shalt  }
0x4e: {  	_ =	shalt  }
0x4f: {  	_ =	shalt  }
0x50: {  	_ =	shalt  }
0x51: {  	_ =	shalt  }
0x52: {  	_ =	shalt  }
0x53: {  	_ =	shalt  }
0x54: {  	_ =	shalt  }
0x55: {  	_ =	shalt  }
0x56: {  	_ =	shalt  }
0x57: {  	_ =	shalt  }
0x58: {  	_ =	shalt  }
0x59: {  	_ =	shalt  }
0x5a: {  	_ =	shalt  }
0x5b: {  	_ =	shalt  }
0x5c: {  	_ =	shalt  }
0x5d: {  	_ =	shalt  }
0x5e: {  	_ =	shalt  }
0x5f: {  	_ =	shalt  }
0x60: {  	_ =	shalt  }
0x61: {  	_ =	shalt  }
0x62: {  	_ =	shalt  }
0x63: {  	_ =	shalt  }
0x64: {  	_ =	shalt  }
0x65: {  	_ =	shalt  }
0x66: {  	_ =	shalt  }
0x67: {  	_ =	shalt  }
0x68: {  	_ =	shalt  }
0x69: {  	_ =	shalt  }
0x6a: {  	_ =	shalt  }
0x6b: {  	_ =	shalt  }
0x6c: {  	_ =	shalt  }
0x6d: {  	_ =	shalt  }
0x6e: {  	_ =	shalt  }
0x6f: {  	_ =	shalt  }
0x70: {  	_ =	shalt  }
0x71: {  	_ =	shalt  }
0x72: {  	_ =	shalt  }
0x73: {  	_ =	shalt  }
0x74: {  	_ =	shalt  }
0x75: {  	_ =	shalt  }
0x76: {  	_ =	shalt  }
0x77: {  	_ =	shalt  }
0x78: {  	_ =	shalt  }
0x79: {  	_ =	shalt  }
0x7a: {  	_ =	shalt  }
0x7b: {  	_ =	shalt  }
0x7c: {  	_ =	shalt  }
0x7d: {  	_ =	shalt  }
0x7e: {  	_ =	shalt  }
0x7f: {  	_ =	shalt  }
0x80: {  	_ =	shalt  }
0x81: {  	_ =	shalt  }
0x82: {  	_ =	shalt  }
0x83: {  	_ =	shalt  }
0x84: {  	_ =	shalt  }
0x85: {  	_ =	shalt  }
0x86: {  	_ =	shalt  }
0x87: {  	_ =	shalt  }
.Lfunc_end0:
.L_simem_size_0:
called_computation.2_lowered:
.L_overlay_start_0:
0x88: {  	s2 =	sld [smem:$0x3FD9]  }
0x89: {  	s3 =	sld [smem:$0x3FFE];
	_ =	sdelay $0x1  }
0x8a: {  	s1 =	srdreg.scid  }
0x8b: {  	s0 =	sand.u32 $0x1, s1  }
0x8c: {  	s17 =	sshll.u32 s0, $0xA;
	s2 =	sadd.s32 s3, s2  }
0x8d: {  	s2 =	sadd.s32 s2, s17  }
0x8e: {  	[smem:$0x3FC2] =	sst s2  }
0x8f: {  	_ = 	snop  }
0x90: {  	s2 =	sld [smem:$0x3FD0];
	(tm) =	ssettm $0x1  }
0x91: {  	s18 =	sld [smem:$0x3FFB];
	_ =	sdelay $0x3  }
0x92: {  	_ =	strace s18  }
0x93: {  	s3 =	sld [smem:$0x3FFC];
	_ =	sdelay $0x3  }
0x94: {  	_ =	strace s3  }
0x95: {  	s3 =	sld [smem:$0x3FFD];
	_ =	sdelay $0x3  }
0x96: {  	_ =	strace s3  }
0x97: {  	_ =	strace $0x8FFFFFFF  }
0x98: {  	s19 =	sld [smem:$0x3FDB];
	_ =	sdelay $0x1  }
0x99: {  	s4 =	simm.s32 $_scs_section_size  }
0x9a: {  	s5 =	simm.s32 $_size__tile_overlayer_lowered;
	s6 =	simm.s32 $_tile_overlayer_lowered  }
0x9b: {  	s22 =	simm.s32 $0x1BFF;
	s21 =	sshll.u32 s6, $0x1;
	s3 =	sadd.s32 s4, s19  }
0x9c: {  	s7 =	simm.s32 $0x0;
	s20 =	sshll.u32 s5, $0x1;
	s5 =	sadd.s32 s21, s3  }
0x9d: {  	[timem:s7], [sflag:s22] =	dma.local [hbm:s5], s20  }
0x9e: {  	_ =	swait.ge [sflag:s22], s20  }
0x9f: {  	s4 =	ssub.s32 $0x0, s20;
	[sflag:s22] =	ssyncset.done $0x0  }
0xa0: {  	[sflag:s22] =	ssyncadd.s32 s4;
	_ =	sdelay $0x1  }
0xa1: {  	s23 =	simm.s32 $0x1B8B  }
0xa2: {  	_ =	swait.ge [sflag:s23], $0x1  }
0xa3: {  	[sflag:s23] =	ssyncset.done $0x0  }
0xa4: {  	s25 =	simm.s32 $0x1B8E;
	s24 =	sld [smem:$0x3FFE];
	[sflag:s23] =	ssyncadd.s32 $0xFFFFFFFF  }
0xa5: {  	s26 =	simm.s32 $execute0_lowered;
	[smem:$0x3FD2] =	sst s25  }
0xa6: {  	s5 =	sshll.u32 s26, $0x1;
	_ =	strace $0x8000004C;
	[dreg:$0x1] =	wrdreg $0xFFFFFFFF  }
0xa7: {  	s28 =	simm.s32 $_size_execute0_lowered;
	s3 =	sadd.s32 s3, s5;
	[dreg:$0x0] =	wrdreg $0x0  }
0xa8: {  	s5 =	sshll.u32 s28, $0x1;
	[dreg:$0x2] =	wrdreg s3  }
0xa9: {  	[dreg:$0x3] =	wrdreg s5  }
0xaa: {  	[dreg:$0x4] =	wrdreg $0xC0  }
0xab: {  	_ =	task [dreg:s7], $0x5FFFF  }
0xac: {  	[dreg:$0x1] =	wrdreg $0xFFFFFFFF  }
0xad: {  	[dreg:$0x0] =	wrdreg $0x60  }
0xae: {  	[dreg:$0x2] =	wrdreg s24  }
0xaf: {  	[dreg:$0x3] =	wrdreg s2  }
0xb0: {  	[dreg:$0x4] =	wrdreg $0xA8000  }
0xb1: {  	[dreg:$0x5] =	wrdreg $0x9  }
0xb2: {  	_ =	task.clear_ibuf [dreg:s7], $0x6FFFF;
	_ =	strace $0x9000004C  }
0xb3: {  	s29 =	simm.s32 $0x9;
	_ =	strace $0x8000004E  }
0xb4: {  	_ =	swait.ge [sflag:s29], $0x1  }
0xb5: {  	[sflag:s29] =	ssyncadd.s32 $0xFFFFFFFF  }
0xb6: {  	_ =	strace $0x9000004E  }
0xb7: {  	_ =	sfence  }
0xb8: {  	s30 =	sld [smem:$0x0];
	_ =	sdelay $0x2  }
0xb9: {  	s31 =	sshll.u32 s1, $0xD;
	s1 =	sshrl.u32 s1, $0x2  }
0xba: {  	s3 =	sand.u32 $0x4000, s31;
	s1 =	sadd.s32 s1, s30  }
0xbb: {  	s0 =	sor.u32 s3, s0;
	s1 =	sshll.u32 s1, $0x11  }
0xbc: {  	s0 =	sor.u32 s1, s0  }
0xbd: {  	s0 =	sadd.s32 $0x8F2B, s0  }
0xbe: {  	[sflag:s0] =	ssyncadd.remote.s32 $0x1  }
0xbf: {  	_ =	sfence.sel $0xFFFF  }
0xc0: {  	[dreg:$0x0] =	wrdreg $0xFFFFFFFF;
	(pc) =	sbr.abs _section_cstart, $3  }
0xc1: {  	[dreg:$0x1] =	wrdreg $0xFFFFFFFF  }
0xc2: {  	_ =	task.clear_ibuf [dreg:s7], $0x2FFFF;
	_ =	strace $0x9FFFFFFF  }
0xc3: {  	(tm) =	ssettm $0x7FFFFFFF  }
tec
execute0_lowered:
.L_overlay_start_1:
0x0: {  	(tag) =	ssettag $0x1  }
0x1: {  	s0 =	rddreg [dreg:$0x0]  }
0x2: {  	s2 =	rddreg [dreg:$0x1]  }
0x3: {  	s1 =	srdreg.scid;
	s10 =	stileid.u32  }
0x4: {  	s3 =	rddreg [dreg:$0x2];
	s4 =	simm.s32 $0x0;
	s6 =	smul.u32 $0x14000, s10  }
0x5: {  	s28 =	simm.s32 $0x6800;
	s1 =	sand.u32 $0x1, s1;
	s8 =	smul.u32 $0x50000, s10  }
0x6: {  	s29 =	simm.s32 $0x180;
	[smem:$0x7FF] =	sst s4;
	s5 =	smul.u32 $0x140000, s1  }
0x7: {  	s30 =	simm.s32 $0x8800;
	_ =	strace $0x8000004D;
	s17 =	ssub.s32 $0x2, s1  }
0x8: {  	s9 =	sshrl.u32 s17, $0x1;
	s8 =	sshrl.u32 s8, $0x2;
	s6 =	sadd.s32 s6, s5  }
0x9: {  	s5 =	sadd.s32 $0x72200, s0;
	s9 =	ssub.s32 s17, s9;
	s7 =	sshrl.u32 s6, $0x3  }
0xa: {  	s6 =	sadd.s32 $0xE200, s0;
	s18 =	smax.u32 s9, $0x1;
	s0 =	sadd.s32 s7, s0  }
0xb: {  	s7 =	sadd.s32 s8, s3;
	[dreg:$0x5] =	wrdreg s18;
	s0 =	sadd.s32 $0x9A200, s0  }
0xc: {  	s31 =	simm.s32 $0x1;
	s19 =	sadd.s32 $0x2000, s7;
	[dreg:$0x4] =	wrdreg s0  }
0xd: {  	s11 =	simm.s32 $0x2680;
	s20 =	sadd.s32 $0x4000, s7;
	[dreg:$0x6] =	wrdreg s19  }
0xe: {  	s12 =	simm.s32 $0x2700;
	s21 =	sadd.s32 $0x6000, s7;
	[dreg:$0x7] =	wrdreg s20  }
0xf: {  	s13 =	simm.s32 $0x2780;
	s22 =	sadd.s32 $0x8000, s7;
	[dreg:$0x8] =	wrdreg s21  }
0x10: {  	s10 =	sshll.u32 s10, $0x1;
	s23 =	sadd.s32 $0xA000, s7;
	[dreg:$0x9] =	wrdreg s22  }
0x11: {  	s1 =	sor.u32 s1, s10;
	s24 =	sadd.s32 $0xC000, s7;
	[dreg:$0xa] =	wrdreg s23  }
0x12: {  	s10 =	simm.s32 $0x2600;
	s25 =	sadd.s32 $0xE000, s7;
	[dreg:$0xb] =	wrdreg s24  }
0x13: {  	s9 =	simm.s32 $0x4;
	s26 =	sadd.s32 $0x10000, s7;
	[dreg:$0xc] =	wrdreg s25  }
0x14: {  	s8 =	smul.u32 $0x5000, s1;
	s1 =	simm.s32 $0x3;
	[dreg:$0xd] =	wrdreg s26  }
0x15: {  	s19 =	sadd.s32 $0x12000, s7;
	s20 =	simm.s32 $0x2800;
	s21 =	simm.s32 $0x5  }
0x16: {  	s22 =	simm.s32 $0x1400;
	s23 =	simm.s32 $0x40;
	s24 =	simm.s32 $0x80  }
0x17: {  	v0 =	vimm.f32 $0.0e+00;
	s25 =	simm.s32 $0x4800;
	s26 =	simm.s32 $0x100;
	s0 =	simm.s32 $0x2  }
.LBB2_1:
0x18: {  	s14 =	simm.s32 $0x0;
	s15 =	simm.s32 $0x200  }
.LBB2_2:
0x19: {  	p0 =	sne.s32 s15, $0x7E00;
	[tilespmem:s14+$0x2870] =	vst v0  }
0x1a: {  	[tilespmem:s14+$0x2800] =	vst v0  }
0x1b: {  	[tilespmem:s14+$0x2810] =	vst v0  }
.Ltmp0:
0x1c: {  	[tilespmem:s14+$0x2820] =	vst v0;
	(pc) =	sbr.rel @p0 .LBB2_2-.Ltmp0, $4  }
0x1d: {  	[tilespmem:s14+$0x2830] =	vst v0  }
0x1e: {  	[tilespmem:s14+$0x2840] =	vst v0  }
0x1f: {  	[tilespmem:s14+$0x2850] =	vst v0  }
0x20: {  	[tilespmem:s14+$0x2860] =	vst v0;
	s14 =	sshra.s32 s15, $0x2;
	s15 =	sadd.s32 $0x200, s15  }
0x21: {  	[tilespmem:s14+$0x2870] =	vst v0  }
0x22: {  	[tilespmem:s14+$0x2800] =	vst v0  }
0x23: {  	[tilespmem:s14+$0x2810] =	vst v0  }
0x24: {  	[tilespmem:s14+$0x2820] =	vst v0  }
0x25: {  	[tilespmem:s14+$0x2830] =	vst v0  }
0x26: {  	[tilespmem:s14+$0x2840] =	vst v0  }
0x27: {  	[tilespmem:s14+$0x2850] =	vst v0  }
0x28: {  	[tilespmem:s14+$0x2860] =	vst v0  }
0x29: {  	[spmem:s7] =	stream.linear.scatter [tilespmem:s20], [sflag:$0x5], $0x2000, $0x38;
	[tilespmem:$0x1E800] =	vst v63  }
0x2a: {  	_ =	swait.ge [sflag:s21], $0x2000  }
0x2b: {  	[sflag:s21] =	ssyncset.done $0x0  }
0x2c: {  	s15 =	rddreg [dreg:$0x6];
	[sflag:s21] =	ssyncadd.s32 $0xFFFFE000  }
0x2d: {  	[spmem:s15] =	stream.linear.scatter [tilespmem:s20], [sflag:$0x5], $0x2000, $0x38;
	[tilespmem:$0x1E800] =	vst v63  }
0x2e: {  	_ =	swait.ge [sflag:s21], $0x2000  }
0x2f: {  	[sflag:s21] =	ssyncset.done $0x0  }
0x30: {  	s16 =	rddreg [dreg:$0x7];
	[sflag:s21] =	ssyncadd.s32 $0xFFFFE000  }
0x31: {  	[spmem:s16] =	stream.linear.scatter [tilespmem:s20], [sflag:$0x5], $0x2000, $0x38;
	[tilespmem:$0x1E800] =	vst v63  }
0x32: {  	_ =	swait.ge [sflag:s21], $0x2000  }
0x33: {  	[sflag:s21] =	ssyncset.done $0x0  }
0x34: {  	s17 =	rddreg [dreg:$0x8];
	[sflag:s21] =	ssyncadd.s32 $0xFFFFE000  }
0x35: {  	[spmem:s17] =	stream.linear.scatter [tilespmem:s20], [sflag:$0x5], $0x2000, $0x38;
	[tilespmem:$0x1E800] =	vst v63  }
0x36: {  	_ =	swait.ge [sflag:s21], $0x2000  }
0x37: {  	[sflag:s21] =	ssyncset.done $0x0  }
0x38: {  	s18 =	rddreg [dreg:$0x9];
	[sflag:s21] =	ssyncadd.s32 $0xFFFFE000  }
0x39: {  	[spmem:s18] =	stream.linear.scatter [tilespmem:s20], [sflag:$0x5], $0x2000, $0x38;
	[tilespmem:$0x1E800] =	vst v63  }
0x3a: {  	_ =	swait.ge [sflag:s21], $0x2000  }
0x3b: {  	[sflag:s21] =	ssyncset.done $0x0  }
0x3c: {  	s15 =	rddreg [dreg:$0xa];
	[sflag:s21] =	ssyncadd.s32 $0xFFFFE000  }
0x3d: {  	[spmem:s15] =	stream.linear.scatter [tilespmem:s20], [sflag:$0x5], $0x2000, $0x38;
	[tilespmem:$0x1E800] =	vst v63  }
0x3e: {  	_ =	swait.ge [sflag:s21], $0x2000  }
0x3f: {  	[sflag:s21] =	ssyncset.done $0x0  }
0x40: {  	s16 =	rddreg [dreg:$0xb];
	[sflag:s21] =	ssyncadd.s32 $0xFFFFE000  }
0x41: {  	[spmem:s16] =	stream.linear.scatter [tilespmem:s20], [sflag:$0x5], $0x2000, $0x38;
	[tilespmem:$0x1E800] =	vst v63  }
0x42: {  	_ =	swait.ge [sflag:s21], $0x2000  }
0x43: {  	[sflag:s21] =	ssyncset.done $0x0  }
0x44: {  	s17 =	rddreg [dreg:$0xc];
	[sflag:s21] =	ssyncadd.s32 $0xFFFFE000  }
0x45: {  	[spmem:s17] =	stream.linear.scatter [tilespmem:s20], [sflag:$0x5], $0x2000, $0x38;
	[tilespmem:$0x1E800] =	vst v63  }
0x46: {  	_ =	swait.ge [sflag:s21], $0x2000  }
0x47: {  	[sflag:s21] =	ssyncset.done $0x0  }
0x48: {  	s18 =	rddreg [dreg:$0xd];
	[sflag:s21] =	ssyncadd.s32 $0xFFFFE000  }
0x49: {  	[spmem:s18] =	stream.linear.scatter [tilespmem:s20], [sflag:$0x5], $0x2000, $0x38;
	[tilespmem:$0x1E800] =	vst v63  }
0x4a: {  	_ =	swait.ge [sflag:s21], $0x2000  }
0x4b: {  	[sflag:s21] =	ssyncset.done $0x0  }
0x4c: {  	[sflag:s21] =	ssyncadd.s32 $0xFFFFE000  }
0x4d: {  	[spmem:s19] =	stream.linear.scatter [tilespmem:s20], [sflag:$0x5], $0x2000, $0x38;
	[tilespmem:$0x1E800] =	vst v63  }
0x4e: {  	_ =	swait.ge [sflag:s21], $0x2000  }
0x4f: {  	[sflag:s21] =	ssyncset.done $0x0  }
0x50: {  	[sflag:s21] =	ssyncadd.s32 $0xFFFFE000  }
0x51: {  	s14 =	simm.s32 $0x0;
	s15 =	simm.s32 $0x0;
	[bflag:$0x0] =	sbarrier.arrive $0xFFFF  }
.LBB2_4:
0x52: {  	s16 =	smul.u32 $0x1400, s15;
	_ =	sdelay $0x1  }
0x53: {  	s16 =	sadd.s32 s8, s16  }
0x54: {  	s16 =	sshrl.u32 s16, $0x3  }
0x55: {  	s17 =	sadd.s32 s2, s16  }
0x56: {  	[tilespmem:s14], [sflag:$0x5] =	stream.linear.gather [hbm4b:s17+s14], $0x1400, $0x38;
	[tilespmem:$0x1E800] =	vst v63  }
0x57: {  	_ =	swait.ge [sflag:s21], $0x1400  }
0x58: {  	[sflag:s21] =	ssyncset.done $0x0  }
0x59: {  	s16 =	sadd.s32 s6, s16;
	[sflag:s21] =	ssyncadd.s32 $0xFFFFEC00  }
0x5a: {  	[tilespmem:s22], [sflag:$0x5] =	stream.linear.gather [hbm4b:s16+s14], $0x1400, $0x38;
	[tilespmem:$0x1E800] =	vst v63  }
0x5b: {  	_ =	swait.ge [sflag:s21], $0x1400  }
0x5c: {  	[sflag:s21] =	ssyncset.done $0x0  }
0x5d: {  	[sflag:s21] =	ssyncadd.s32 $0xFFFFEC00  }
0x5e: {  	[tilespmem:s20], [sflag:$0x1] =	stream.indirect.gather [hbm4b:s5+s23], $0x80, s14, s23, $0xb8;
	[tilespmem:$0x1E800] =	vst v63  }
0x5f: {  	_ = 	snop  }
0x60: {  	[tilespmem:s25], [sflag:$0x2] =	stream.indirect.gather [hbm4b:s5+s23], $0x80, s24, s23, $0xb8;
	[tilespmem:$0x1E800] =	vst v63  }
0x61: {  	_ = 	snop  }
0x62: {  	[tilespmem:s28], [sflag:$0x3] =	stream.indirect.gather [hbm4b:s5+s23], $0x80, s26, s23, $0xb8;
	[tilespmem:$0x1E800] =	vst v63  }
0x63: {  	_ = 	snop  }
0x64: {  	[tilespmem:s30], [sflag:$0x4] =	stream.indirect.gather [hbm4b:s5+s23], $0x80, s29, s23, $0xb8;
	[tilespmem:$0x1E800] =	vst v63  }
0x65: {  	_ =	swait.ge [sflag:s31], $0x2000  }
0x66: {  	[sflag:s31] =	ssyncset.done $0x0  }
0x67: {  	s18 =	simm.s32 $0x1400;
	[sflag:s31] =	ssyncadd.s32 $0xFFFFE000  }
0x68: {  	[spmem:s3] =	stream.indirect.scatter.add.f32 [tilespmem:s20], [sflag:$0x5], $0x80, s18, s23, $0xb8;
	[tilespmem:$0x1E800] =	vst v63  }
0x69: {  	_ =	swait.ge [sflag:s21], $0x2000  }
0x6a: {  	[sflag:s21] =	ssyncset.done $0x0  }
0x6b: {  	s17 =	simm.s32 $0x200;
	[sflag:s21] =	ssyncadd.s32 $0xFFFFE000  }
0x6c: {  	[tilespmem:s20], [sflag:$0x1] =	stream.indirect.gather [hbm4b:s5+s23], $0x80, s17, s23, $0xb8;
	[tilespmem:$0x1E800] =	vst v63  }
0x6d: {  	_ =	swait.ge [sflag:s0], $0x2000  }
0x6e: {  	[sflag:s0] =	ssyncset.done $0x0  }
0x6f: {  	s18 =	simm.s32 $0x1480;
	[sflag:s0] =	ssyncadd.s32 $0xFFFFE000  }
0x70: {  	[spmem:s3] =	stream.indirect.scatter.add.f32 [tilespmem:s25], [sflag:$0x5], $0x80, s18, s23, $0xb8;
	[tilespmem:$0x1E800] =	vst v63  }
0x71: {  	_ =	swait.ge [sflag:s21], $0x2000  }
0x72: {  	[sflag:s21] =	ssyncset.done $0x0  }
0x73: {  	s17 =	simm.s32 $0x280;
	[sflag:s21] =	ssyncadd.s32 $0xFFFFE000  }
0x74: {  	[tilespmem:s25], [sflag:$0x2] =	stream.indirect.gather [hbm4b:s5+s23], $0x80, s17, s23, $0xb8;
	[tilespmem:$0x1E800] =	vst v63  }
0x75: {  	_ =	swait.ge [sflag:s1], $0x2000  }
0x76: {  	[sflag:s1] =	ssyncset.done $0x0  }
0x77: {  	s18 =	simm.s32 $0x1500;
	[sflag:s1] =	ssyncadd.s32 $0xFFFFE000  }
0x78: {  	[spmem:s3] =	stream.indirect.scatter.add.f32 [tilespmem:s28], [sflag:$0x5], $0x80, s18, s23, $0xb8;
	[tilespmem:$0x1E800] =	vst v63  }
0x79: {  	_ =	swait.ge [sflag:s21], $0x2000  }
0x7a: {  	[sflag:s21] =	ssyncset.done $0x0  }
0x7b: {  	s17 =	simm.s32 $0x300;
	[sflag:s21] =	ssyncadd.s32 $0xFFFFE000  }
0x7c: {  	[tilespmem:s28], [sflag:$0x3] =	stream.indirect.gather [hbm4b:s5+s23], $0x80, s17, s23, $0xb8;
	[tilespmem:$0x1E800] =	vst v63  }
0x7d: {  	_ =	swait.ge [sflag:s9], $0x2000  }
0x7e: {  	[sflag:s9] =	ssyncset.done $0x0  }
0x7f: {  	s18 =	simm.s32 $0x1580;
	[sflag:s9] =	ssyncadd.s32 $0xFFFFE000  }
0x80: {  	[spmem:s3] =	stream.indirect.scatter.add.f32 [tilespmem:s30], [sflag:$0x5], $0x80, s18, s23, $0xb8;
	[tilespmem:$0x1E800] =	vst v63  }
0x81: {  	_ =	swait.ge [sflag:s21], $0x2000  }
0x82: {  	[sflag:s21] =	ssyncset.done $0x0  }
0x83: {  	s16 =	simm.s32 $0x800;
	s17 =	simm.s32 $0x380;
	[sflag:s21] =	ssyncadd.s32 $0xFFFFE000  }
.LBB2_5:
0x84: {  	[tilespmem:s30], [sflag:$0x4] =	stream.indirect.gather [hbm4b:s5+s23], $0x80, s17, s23, $0xb8;
	[tilespmem:$0x1E800] =	vst v63  }
0x85: {  	s17 =	smov.u32 s16  }
0x86: {  	p0 =	sne.s32 s16, $0x4000;
	s16 =	sadd.s32 $0x800, s16;
	_ =	swait.ge [sflag:s31], $0x2000  }
0x87: {  	s17 =	sshra.s32 s17, $0x2;
	[sflag:s31] =	ssyncset.done $0x0  }
0x88: {  	s18 =	sadd.s32 $0x1400, s17;
	[sflag:s31] =	ssyncadd.s32 $0xFFFFE000  }
0x89: {  	[spmem:s3] =	stream.indirect.scatter.add.f32 [tilespmem:s20], [sflag:$0x5], $0x80, s18, s23, $0xb8;
	[tilespmem:$0x1E800] =	vst v63  }
0x8a: {  	_ =	swait.ge [sflag:s21], $0x2000  }
0x8b: {  	[sflag:s21] =	ssyncset.done $0x0  }
0x8c: {  	s18 =	sadd.s32 $0x200, s17;
	[sflag:s21] =	ssyncadd.s32 $0xFFFFE000  }
0x8d: {  	[tilespmem:s20], [sflag:$0x1] =	stream.indirect.gather [hbm4b:s5+s23], $0x80, s18, s23, $0xb8;
	[tilespmem:$0x1E800] =	vst v63  }
0x8e: {  	_ =	swait.ge [sflag:s0], $0x2000  }
0x8f: {  	[sflag:s0] =	ssyncset.done $0x0  }
0x90: {  	s18 =	sadd.s32 $0x1480, s17;
	[sflag:s0] =	ssyncadd.s32 $0xFFFFE000  }
0x91: {  	[spmem:s3] =	stream.indirect.scatter.add.f32 [tilespmem:s25], [sflag:$0x5], $0x80, s18, s23, $0xb8;
	[tilespmem:$0x1E800] =	vst v63  }
0x92: {  	_ =	swait.ge [sflag:s21], $0x2000  }
0x93: {  	[sflag:s21] =	ssyncset.done $0x0  }
0x94: {  	s18 =	sadd.s32 $0x280, s17;
	[sflag:s21] =	ssyncadd.s32 $0xFFFFE000  }
0x95: {  	[tilespmem:s25], [sflag:$0x2] =	stream.indirect.gather [hbm4b:s5+s23], $0x80, s18, s23, $0xb8;
	[tilespmem:$0x1E800] =	vst v63  }
0x96: {  	_ =	swait.ge [sflag:s1], $0x2000  }
0x97: {  	[sflag:s1] =	ssyncset.done $0x0  }
0x98: {  	s18 =	sadd.s32 $0x1500, s17;
	[sflag:s1] =	ssyncadd.s32 $0xFFFFE000  }
0x99: {  	[spmem:s3] =	stream.indirect.scatter.add.f32 [tilespmem:s28], [sflag:$0x5], $0x80, s18, s23, $0xb8;
	[tilespmem:$0x1E800] =	vst v63  }
0x9a: {  	_ =	swait.ge [sflag:s21], $0x2000  }
0x9b: {  	[sflag:s21] =	ssyncset.done $0x0  }
0x9c: {  	s18 =	sadd.s32 $0x300, s17;
	[sflag:s21] =	ssyncadd.s32 $0xFFFFE000  }
0x9d: {  	[tilespmem:s28], [sflag:$0x3] =	stream.indirect.gather [hbm4b:s5+s23], $0x80, s18, s23, $0xb8;
	[tilespmem:$0x1E800] =	vst v63  }
0x9e: {  	_ =	swait.ge [sflag:s9], $0x2000  }
0x9f: {  	[sflag:s9] =	ssyncset.done $0x0  }
.Ltmp1:
0xa0: {  	s18 =	sadd.s32 $0x1580, s17;
	[sflag:s9] =	ssyncadd.s32 $0xFFFFE000;
	(pc) =	sbr.rel @p0 .LBB2_5-.Ltmp1, $4  }
0xa1: {  	[spmem:s3] =	stream.indirect.scatter.add.f32 [tilespmem:s30], [sflag:$0x5], $0x80, s18, s23, $0xb8;
	[tilespmem:$0x1E800] =	vst v63  }
0xa2: {  	_ =	swait.ge [sflag:s21], $0x2000  }
0xa3: {  	[sflag:s21] =	ssyncset.done $0x0  }
0xa4: {  	s17 =	sadd.s32 $0x380, s17;
	[sflag:s21] =	ssyncadd.s32 $0xFFFFE000  }
0xa5: {  	[tilespmem:s30], [sflag:$0x4] =	stream.indirect.gather [hbm4b:s5+s23], $0x80, s17, s23, $0xb8;
	[tilespmem:$0x1E800] =	vst v63  }
0xa6: {  	_ =	swait.ge [sflag:s31], $0x2000  }
0xa7: {  	[sflag:s31] =	ssyncset.done $0x0  }
0xa8: {  	[sflag:s31] =	ssyncadd.s32 $0xFFFFE000  }
0xa9: {  	[spmem:s3] =	stream.indirect.scatter.add.f32 [tilespmem:s20], [sflag:$0x5], $0x80, s10, s23, $0xb8;
	[tilespmem:$0x1E800] =	vst v63  }
0xaa: {  	_ =	swait.ge [sflag:s21], $0x2000  }
0xab: {  	[sflag:s21] =	ssyncset.done $0x0  }
0xac: {  	[sflag:s21] =	ssyncadd.s32 $0xFFFFE000  }
0xad: {  	_ =	swait.ge [sflag:s0], $0x2000  }
0xae: {  	[sflag:s0] =	ssyncset.done $0x0  }
0xaf: {  	[sflag:s0] =	ssyncadd.s32 $0xFFFFE000  }
0xb0: {  	[spmem:s3] =	stream.indirect.scatter.add.f32 [tilespmem:s25], [sflag:$0x5], $0x80, s11, s23, $0xb8;
	[tilespmem:$0x1E800] =	vst v63  }
0xb1: {  	_ =	swait.ge [sflag:s21], $0x2000  }
0xb2: {  	[sflag:s21] =	ssyncset.done $0x0  }
0xb3: {  	[sflag:s21] =	ssyncadd.s32 $0xFFFFE000  }
0xb4: {  	_ =	swait.ge [sflag:s1], $0x2000  }
0xb5: {  	[sflag:s1] =	ssyncset.done $0x0  }
0xb6: {  	[sflag:s1] =	ssyncadd.s32 $0xFFFFE000  }
0xb7: {  	[spmem:s3] =	stream.indirect.scatter.add.f32 [tilespmem:s28], [sflag:$0x5], $0x80, s12, s23, $0xb8;
	[tilespmem:$0x1E800] =	vst v63  }
0xb8: {  	_ =	swait.ge [sflag:s21], $0x2000  }
0xb9: {  	[sflag:s21] =	ssyncset.done $0x0  }
0xba: {  	[sflag:s21] =	ssyncadd.s32 $0xFFFFE000  }
0xbb: {  	s15 =	sadd.s32 $0x1, s15;
	_ =	swait.ge [sflag:s9], $0x2000  }
0xbc: {  	p0 =	sne.s32 s15, $0x4;
	[sflag:s9] =	ssyncset.done $0x0  }
.Ltmp2:
0xbd: {  	[sflag:s9] =	ssyncadd.s32 $0xFFFFE000;
	(pc) =	sbr.rel @p0 .LBB2_4-.Ltmp2, $4  }
0xbe: {  	[spmem:s3] =	stream.indirect.scatter.add.f32 [tilespmem:s30], [sflag:$0x5], $0x80, s13, s23, $0xb8;
	[tilespmem:$0x1E800] =	vst v63  }
0xbf: {  	_ =	swait.ge [sflag:s21], $0x2000  }
0xc0: {  	[sflag:s21] =	ssyncset.done $0x0  }
0xc1: {  	[sflag:s21] =	ssyncadd.s32 $0xFFFFE000  }
0xc2: {  	s14 =	stileid.u32  }
0xc3: {  	[bflag:$0x0] =	sbarrier.arrive $0xFFFF;
	s14 =	sshll.u32 s14, $0x6  }
0xc4: {  	s15 =	sshrl.u32 s7, $0x3;
	s16 =	rddreg [dreg:$0x4];
	s14 =	sor.u32 $0x1C05, s14  }
0xc5: {  	[hbm:s16], [sflag:s14] =	dma.local [spmem:s15], $0x2800  }
0xc6: {  	_ =	swait.ge [sflag:s21], $0x2800  }
0xc7: {  	s4 =	sadd.s32 $0x1, s4;
	s18 =	rddreg [dreg:$0x5]  }
0xc8: {  	p0 =	sne.s32 s4, s18  }
.Ltmp3:
0xc9: {  	_ = 	snop;
	(pc) =	sbr.rel @p0 .LBB2_1-.Ltmp3, $3  }
0xca: {  	_ =	sdelay $0x1  }
0xcb: {  	[sflag:s21] =	ssyncset.done $0x0  }
0xcc: {  	[sflag:s21] =	ssyncadd.s32 $0xFFFFD800  }
0xcd: {  	_ =	sfence.sel $0x180000  }
0xce: {  	[bflag:$0x0] =	sbarrier.arrive $0xFFFF  }
0xcf: {  	_ =	strace $0x9000004D  }
0xd0: {  	s0 =	stileid.u32;
	[bflag:$0x2] =	sbarrier.arrive $0xFFFF  }
0xd1: {  	p0 =	sne.s32 s0, $0x0;
	s0 =	rddreg [dreg:$0x3]  }
0xd2: {  	s0 =	sadd.s32 @!p0 $0x100000, s0  }
0xd3: {  	[sflag:s0] =	ssyncadd.tile.s32 @!p0 $0x1;
	_ =	shalt  }
.Lfunc_end2:
_tile_overlayer_lowered:
.L_overlay_start_2:
0xd4: {  	(tag) =	ssettag $0x2  }
0xd5: {  	s0 =	rddreg [dreg:$0x0];
	s2 =	stileid.u32  }
0xd6: {  	s1 =	rddreg [dreg:$0x1];
	p0 =	sne.s32 s2, $0x0  }
0xd7: {  	s3 =	rddreg [dreg:$0x2];
	[bflag:$0x3] =	sbarrier.arrive $0xFFFF;
	s2 =	simm.s32 @!p0 $0x1C05  }
0xd8: {  	[timem:s3], [sflag:s2] =	dma.local @!p0 [hbm:s0], s1  }
0xd9: {  	s0 =	simm.s32 @!p0 $0x5  }
0xda: {  	_ =	swait.ge @!p0 [sflag:s0], s1  }
0xdb: {  	s1 =	ssub.s32 @!p0 $0x0, s1;
	[sflag:s0] =	ssyncset.done @!p0 $0x0  }
0xdc: {  	[sflag:s0] =	ssyncadd.s32 @!p0 s1  }
0xdd: {  	[bflag:$0x3] =	sbarrier.arrive $0xFFFF  }
0xde: {  	_ =	shalt  }

// kernel: kernel.9.cloned.1.call-start
scs
__scs_entry_jumppad:
0x0: {  	(pc) =	sbr.rel $0x88, $3  }
0x1: {  	(tag) =	ssettag $0x0;
	lr =	simm.s32 $0x1  }
0x2: {  	[smem:$0x3F9B] =	sst lr;
	_ =	strace $0xD0000000  }
0x3: {  	_ = 	snop  }
0x4: {  	_ = 	snop  }
0x5: {  	_ = 	snop  }
0x6: {  	_ = 	snop  }
0x7: {  	_ = 	snop  }
__scs_overlays_trampoline_lowered:
0x8: {  	[smem:$0x3FAA] =	sst s0  }
0x9: {  	[smem:$0x3FAB] =	sst s1  }
0xa: {  	[smem:$0x3FAC] =	sst s2  }
0xb: {  	[smem:$0x3FAD] =	sst s3  }
0xc: {  	[smem:$0x3FAE] =	sst s4  }
0xd: {  	[smem:$0x3FAF] =	sst s5  }
0xe: {  	[smem:$0x3FB0] =	sst s6  }
0xf: {  	[smem:$0x3FB1] =	sst s7  }
0x10: {  	[smem:$0x3FB2] =	sst s8  }
0x11: {  	[smem:$0x3FB3] =	sst s9;
	s0 =	simm.s32 @!p0 $0x0  }
0x12: {  	s1 =	sld [smem:$0x3F99];
	s0 =	simm.s32 @p0 $0x1  }
0x13: {  	[smem:$0x3FB4] =	sst s0;
	s0 =	simm.s32 @!p1 $0x0  }
0x14: {  	s2 =	sld [smem:$0x3F98];
	s0 =	simm.s32 @p1 $0x1  }
0x15: {  	[smem:$0x3FB5] =	sst s0;
	s0 =	simm.s32 @!p2 $0x0  }
0x16: {  	s3 =	sld [smem:$0x3FDB];
	s0 =	simm.s32 @p2 $0x1  }
0x17: {  	s4 =	simm.s32 $0x1BF5;
	[smem:$0x3FB7] =	sst s0  }
0x18: {  	s0 =	sld [smem:$0x3F9A];
	_ =	swait.ge [sflag:s4], $0x0  }
0x19: {  	s7 =	sld [smem:$0x3F9B]  }
0x1a: {  	s8 =	sadd.s32 $0xFFFFE003, lr  }
0x1b: {  	s9 =	sadd.s32 $0xFFFFFEF7, lr;
	s5 =	simm.s32 $0xFFFFFFFF;
	p2 =	slt.u32 s8, $0xFFFFF086  }
0x1c: {  	p1 =	slt.u32 s9, $0xF7A;
	s5 =	simm.s32 @!p2 $0x0  }
0x1d: {  	s5 =	simm.s32 @p1 $0x1;
	p0 =	seq.s32 s7, s2  }
0x1e: {  	s7 =	smul.u32 @!p0 $0xF7A, s2;
	p2 =	seq.s32 @!p0 s5, $0x0  }
0x1f: {  	s9 =	smul.u32 $0xF7A, s1;
	s8 =	simm.s32 @!p0 $0x1BF5;
	p2 =	por !p2, p0  }
0x20: {  	[sflag:s8] =	ssyncset.s32 @!p0 $0xFFFFF086;
	s6 =	sadd.s32 @!p0 s3, s7;
	s7 =	simm.s32 @!p0 $0x108  }
0x21: {  	s3 =	sadd.s32 s3, s9;
	s6 =	sadd.s32 @!p0 $0x88, s6;
	s7 =	simm.s32 @p2 $0x1082  }
0x22: {  	[simem:s7], [sflag:s8] =	dma.local @!p0 [hbm:s6], $0xF7A  }
0x23: {  	s9 =	sor.u32 $0xD0000000, s2;
	s6 =	simm.s32 $0x108;
	_ =	swait.ge @!p0 [sflag:s8], $0x0  }
0x24: {  	s3 =	sadd.s32 $0x88, s3;
	s6 =	simm.s32 @!p1 $0x1082;
	[sflag:s4] =	ssyncset.s32 $0xFFFFF086  }
0x25: {  	[simem:s6], [sflag:s4] =	dma.local [hbm:s3], $0xF7A  }
0x26: {  	[smem:$0x3F9B] =	sst s1;
	(tag) =	ssettag s2;
	_ =	strace s9  }
0x27: {  	s1 =	sld [smem:$0x3FAB]  }
0x28: {  	s2 =	sld [smem:$0x3FAC]  }
0x29: {  	s4 =	sld [smem:$0x3FAE]  }
0x2a: {  	p0 =	seq.s32 s5, $0x0;
	s5 =	sld [smem:$0x3FAF]  }
0x2b: {  	s6 =	sld [smem:$0x3FB0]  }
0x2c: {  	s7 =	sld [smem:$0x3FB1]  }
0x2d: {  	s3 =	simm.s32 $0x108;
	s8 =	sld [smem:$0x3FB2]  }
0x2e: {  	s3 =	simm.s32 @!p0 $0x1082;
	s9 =	sld [smem:$0x3FB3]  }
0x2f: {  	lr =	sadd.s32 s0, s3;
	s0 =	sld [smem:$0x3FAA]  }
0x30: {  	s3 =	sld [smem:$0x3FAD]  }
0x31: {  	[smem:$0x3FB6] =	sst s10  }
0x32: {  	s10 =	sld [smem:$0x3FB4];
	_ =	sdelay $0x3  }
0x33: {  	p0 =	seq.s32 s10, $0x1;
	s10 =	sld [smem:$0x3FB6];
	_ =	sdelay $0x3  }
0x34: {  	[smem:$0x3FB6] =	sst s10  }
0x35: {  	s10 =	sld [smem:$0x3FB5];
	_ =	sdelay $0x3  }
0x36: {  	p1 =	seq.s32 s10, $0x1;
	s10 =	sld [smem:$0x3FB6];
	_ =	sdelay $0x3  }
0x37: {  	[smem:$0x3FB6] =	sst s10  }
0x38: {  	s10 =	sld [smem:$0x3FB7]  }
0x39: {  	_ = 	snop;
	(pc) =	sbr.ind lr, $3  }
0x3a: {  	_ = 	snop  }
0x3b: {  	_ = 	snop  }
0x3c: {  	p2 =	seq.s32 s10, $0x1;
	s10 =	sld [smem:$0x3FB6]  }
0x3d: {  	_ =	shalt  }
0x3e: {  	_ =	shalt  }
0x3f: {  	_ =	shalt  }
0x40: {  	_ =	shalt  }
0x41: {  	_ =	shalt  }
0x42: {  	_ =	shalt  }
0x43: {  	_ =	shalt  }
0x44: {  	_ =	shalt  }
0x45: {  	_ =	shalt  }
0x46: {  	_ =	shalt  }
0x47: {  	_ =	shalt  }
0x48: {  	_ =	shalt  }
0x49: {  	_ =	shalt  }
0x4a: {  	_ =	shalt  }
0x4b: {  	_ =	shalt  }
0x4c: {  	_ =	shalt  }
0x4d: {  	_ =	shalt  }
0x4e: {  	_ =	shalt  }
0x4f: {  	_ =	shalt  }
0x50: {  	_ =	shalt  }
0x51: {  	_ =	shalt  }
0x52: {  	_ =	shalt  }
0x53: {  	_ =	shalt  }
0x54: {  	_ =	shalt  }
0x55: {  	_ =	shalt  }
0x56: {  	_ =	shalt  }
0x57: {  	_ =	shalt  }
0x58: {  	_ =	shalt  }
0x59: {  	_ =	shalt  }
0x5a: {  	_ =	shalt  }
0x5b: {  	_ =	shalt  }
0x5c: {  	_ =	shalt  }
0x5d: {  	_ =	shalt  }
0x5e: {  	_ =	shalt  }
0x5f: {  	_ =	shalt  }
0x60: {  	_ =	shalt  }
0x61: {  	_ =	shalt  }
0x62: {  	_ =	shalt  }
0x63: {  	_ =	shalt  }
0x64: {  	_ =	shalt  }
0x65: {  	_ =	shalt  }
0x66: {  	_ =	shalt  }
0x67: {  	_ =	shalt  }
0x68: {  	_ =	shalt  }
0x69: {  	_ =	shalt  }
0x6a: {  	_ =	shalt  }
0x6b: {  	_ =	shalt  }
0x6c: {  	_ =	shalt  }
0x6d: {  	_ =	shalt  }
0x6e: {  	_ =	shalt  }
0x6f: {  	_ =	shalt  }
0x70: {  	_ =	shalt  }
0x71: {  	_ =	shalt  }
0x72: {  	_ =	shalt  }
0x73: {  	_ =	shalt  }
0x74: {  	_ =	shalt  }
0x75: {  	_ =	shalt  }
0x76: {  	_ =	shalt  }
0x77: {  	_ =	shalt  }
0x78: {  	_ =	shalt  }
0x79: {  	_ =	shalt  }
0x7a: {  	_ =	shalt  }
0x7b: {  	_ =	shalt  }
0x7c: {  	_ =	shalt  }
0x7d: {  	_ =	shalt  }
0x7e: {  	_ =	shalt  }
0x7f: {  	_ =	shalt  }
0x80: {  	_ =	shalt  }
0x81: {  	_ =	shalt  }
0x82: {  	_ =	shalt  }
0x83: {  	_ =	shalt  }
0x84: {  	_ =	shalt  }
0x85: {  	_ =	shalt  }
0x86: {  	_ =	shalt  }
0x87: {  	_ =	shalt  }
.Lfunc_end0:
.L_simem_size_0:
called_computation_lowered:
.L_overlay_start_0:
0x88: {  	s2 =	sld [smem:$0x3FD9]  }
0x89: {  	s3 =	sld [smem:$0x3FFE];
	_ =	sdelay $0x1  }
0x8a: {  	s1 =	srdreg.scid  }
0x8b: {  	s0 =	sand.u32 $0x1, s1  }
0x8c: {  	s16 =	sshll.u32 s0, $0xA;
	s2 =	sadd.s32 s3, s2  }
0x8d: {  	s2 =	sadd.s32 s2, s16  }
0x8e: {  	[smem:$0x3FC2] =	sst s2  }
0x8f: {  	_ = 	snop  }
0x90: {  	(tm) =	ssettm $0x1  }
0x91: {  	s17 =	sld [smem:$0x3FFB];
	_ =	sdelay $0x3  }
0x92: {  	_ =	strace s17  }
0x93: {  	s2 =	sld [smem:$0x3FFC];
	_ =	sdelay $0x3  }
0x94: {  	_ =	strace s2  }
0x95: {  	s2 =	sld [smem:$0x3FFD];
	_ =	sdelay $0x3  }
0x96: {  	_ =	strace s2  }
0x97: {  	_ =	strace $0x8FFFFFFF  }
0x98: {  	s18 =	sld [smem:$0x3FDB];
	_ =	sdelay $0x1  }
0x99: {  	s19 =	simm.s32 $_scs_section_size  }
0x9a: {  	s4 =	simm.s32 $_size__tile_overlayer_lowered;
	s5 =	simm.s32 $_tile_overlayer_lowered  }
0x9b: {  	s22 =	simm.s32 $0x1BFF;
	s21 =	sshll.u32 s5, $0x1;
	s2 =	sadd.s32 s19, s18  }
0x9c: {  	s6 =	simm.s32 $0x0;
	s20 =	sshll.u32 s4, $0x1;
	s4 =	sadd.s32 s21, s2  }
0x9d: {  	[timem:s6], [sflag:s22] =	dma.local [hbm:s4], s20  }
0x9e: {  	_ =	swait.ge [sflag:s22], s20  }
0x9f: {  	s3 =	ssub.s32 $0x0, s20;
	[sflag:s22] =	ssyncset.done $0x0  }
0xa0: {  	[sflag:s22] =	ssyncadd.s32 s3;
	_ =	sdelay $0x1  }
0xa1: {  	s23 =	simm.s32 $0x1B8B  }
0xa2: {  	_ =	swait.ge [sflag:s23], $0x1  }
0xa3: {  	[sflag:s23] =	ssyncset.done $0x0  }
0xa4: {  	s25 =	simm.s32 $0x1B8E;
	s24 =	sld [smem:$0x3FFE];
	[sflag:s23] =	ssyncadd.s32 $0xFFFFFFFF  }
0xa5: {  	s26 =	simm.s32 $execute0_lowered;
	[smem:$0x3FD2] =	sst s25  }
0xa6: {  	s4 =	sshll.u32 s26, $0x1;
	_ =	strace $0x80000046;
	[dreg:$0x1] =	wrdreg $0xFFFFFFFF  }
0xa7: {  	s28 =	simm.s32 $_size_execute0_lowered;
	s2 =	sadd.s32 s2, s4;
	[dreg:$0x0] =	wrdreg $0x0  }
0xa8: {  	s4 =	sshll.u32 s28, $0x1;
	[dreg:$0x2] =	wrdreg s2  }
0xa9: {  	[dreg:$0x3] =	wrdreg s4  }
0xaa: {  	[dreg:$0x4] =	wrdreg $0xC0  }
0xab: {  	_ =	task [dreg:s6], $0x5FFFF  }
0xac: {  	[dreg:$0x1] =	wrdreg $0xFFFFFFFF  }
0xad: {  	[dreg:$0x0] =	wrdreg $0x60  }
0xae: {  	[dreg:$0x2] =	wrdreg s24  }
0xaf: {  	[dreg:$0x3] =	wrdreg $0x54800  }
0xb0: {  	[dreg:$0x4] =	wrdreg $0x9  }
0xb1: {  	_ =	task.clear_ibuf [dreg:s6], $0x5FFFF;
	_ =	strace $0x90000046  }
0xb2: {  	s29 =	simm.s32 $0x9;
	_ =	strace $0x80000048  }
0xb3: {  	_ =	swait.ge [sflag:s29], $0x1  }
0xb4: {  	[sflag:s29] =	ssyncadd.s32 $0xFFFFFFFF  }
0xb5: {  	_ =	strace $0x90000048  }
0xb6: {  	_ =	sfence  }
0xb7: {  	s30 =	sld [smem:$0x0];
	_ =	sdelay $0x2  }
0xb8: {  	s31 =	sshll.u32 s1, $0xD;
	s1 =	sshrl.u32 s1, $0x2  }
0xb9: {  	s3 =	sand.u32 $0x4000, s31;
	s1 =	sadd.s32 s1, s30  }
0xba: {  	s0 =	sor.u32 s3, s0;
	s1 =	sshll.u32 s1, $0x11  }
0xbb: {  	s0 =	sor.u32 s1, s0  }
0xbc: {  	s0 =	sadd.s32 $0x8F2B, s0  }
0xbd: {  	[sflag:s0] =	ssyncadd.remote.s32 $0x1  }
0xbe: {  	_ =	sfence.sel $0xFFFF  }
0xbf: {  	[dreg:$0x0] =	wrdreg $0xFFFFFFFF;
	(pc) =	sbr.abs _section_cstart, $3  }
0xc0: {  	[dreg:$0x1] =	wrdreg $0xFFFFFFFF  }
0xc1: {  	_ =	task.clear_ibuf [dreg:s6], $0x2FFFF;
	_ =	strace $0x9FFFFFFF  }
0xc2: {  	(tm) =	ssettm $0x7FFFFFFF  }
0xc3: {  	_ =	shalt  }
tec
execute0_lowered:
.L_overlay_start_1:
0x0: {  	(tag) =	ssettag $0x1  }
0x1: {  	s4 =	rddreg [dreg:$0x0]  }
0x2: {  	s2 =	rddreg [dreg:$0x1]  }
0x3: {  	s3 =	srdreg.scid;
	s1 =	stileid.u32  }
0x4: {  	s0 =	rddreg [dreg:$0x2];
	s10 =	simm.s32 $0x50;
	s11 =	simm.s32 $0x5400  }
0x5: {  	s14 =	simm.s32 $0x0;
	s5 =	sand.u32 $0x1, s3;
	s6 =	sshll.u32 s1, $0x1  }
0x6: {  	s3 =	simm.s32 $0x0;
	s8 =	sshll.u32 s1, $0xA;
	p0 =	sgt.u32 s1, $0x9  }
0x7: {  	s6 =	sor.u32 s5, s6;
	s7 =	smul.u32 $0x2800, s5;
	[smem:$0x7FF] =	sst s3  }
0x8: {  	s5 =	ssub.s32 $0x2, s5;
	s12 =	sshll.u32 @!p0 s1, $0x6;
	s6 =	smul.u32 $0x500, s6  }
0x9: {  	_ =	strace $0x80000047;
	s9 =	sshrl.u32 s5, $0x1;
	s7 =	sadd.s32 s8, s7  }
0xa: {  	s12 =	sor.u32 @!p0 $0x1C01, s12;
	s9 =	ssub.s32 s5, s9;
	s7 =	sshrl.u32 s7, $0x3  }
0xb: {  	v0 =	vlaneseq.u32;
	s6 =	sadd.s32 s6, s4;
	s7 =	sadd.s32 s7, s4;
	s4 =	sadd.s32 s8, s2  }
0xc: {  	v1 =	vimm.f32 $0.0e+00;
	v6 =	vimm.f32 $1.000000000e+00;
	v2 =	vor.u32 $0x10, v0;
	s5 =	sadd.s32 $0x3800, s6;
	s8 =	simm.s32 $0x1;
	s6 =	sadd.s32 $0xD800, s7  }
0xd: {  	v3 =	vor.u32 $0x20, v0;
	v4 =	vor.u32 $0x30, v0;
	v5 =	vor.u32 $0x40, v0;
	s7 =	smax.u32 s9, $0x1;
	s9 =	simm.s32 $0x2800;
	s13 =	sshrl.u32 @!p0 s4, $0x3  }
.LBB2_1:
0xe: {  	s15 =	simm.s32 $0x70;
	s16 =	simm.s32 $0x3C0  }
.LBB2_2:
0xf: {  	p1 =	sne.s32 s16, $0x9FC0;
	[tilespmem:s15+$0x2800] =	vst v1  }
0x10: {  	[tilespmem:s15+$0x2790] =	vst v1  }
0x11: {  	[tilespmem:s15+$0x27A0] =	vst v1  }
.Ltmp0:
0x12: {  	[tilespmem:s15+$0x27B0] =	vst v1;
	(pc) =	sbr.rel @p1 .LBB2_2-.Ltmp0, $4  }
0x13: {  	[tilespmem:s15+$0x27C0] =	vst v1  }
0x14: {  	[tilespmem:s15+$0x27D0] =	vst v1  }
0x15: {  	[tilespmem:s15+$0x27E0] =	vst v1  }
0x16: {  	[tilespmem:s15+$0x27F0] =	vst v1;
	s15 =	sshra.s32 s16, $0x2;
	s16 =	sadd.s32 $0x200, s16  }
0x17: {  	[tilespmem:s15+$0x2800] =	vst v1  }
0x18: {  	[tilespmem:s15+$0x2790] =	vst v1  }
0x19: {  	[tilespmem:s15+$0x27A0] =	vst v1  }
0x1a: {  	[tilespmem:s15+$0x27B0] =	vst v1  }
0x1b: {  	[tilespmem:s15+$0x27C0] =	vst v1  }
0x1c: {  	[tilespmem:s15+$0x27D0] =	vst v1  }
0x1d: {  	[tilespmem:s15+$0x27E0] =	vst v1  }
0x1e: {  	[tilespmem:s15+$0x27F0] =	vst v1  }
0x1f: {  	[tilespmem:$0x5000] =	vst v1  }
0x20: {  	[tilespmem:$0x5010] =	vst v1  }
0x21: {  	[tilespmem:$0x5020] =	vst v1  }
0x22: {  	[tilespmem:$0x5030] =	vst v1  }
0x23: {  	[tilespmem:$0x5040] =	vst v1  }
0x24: {  	[tilespmem:$0x5050] =	vst v1  }
0x25: {  	[tilespmem:$0x5060] =	vst v1  }
0x26: {  	[tilespmem:$0x5070] =	vst v1  }
0x27: {  	[tilespmem:$0x5080] =	vst v1  }
0x28: {  	[tilespmem:$0x5090] =	vst v1  }
0x29: {  	[tilespmem:$0x50A0] =	vst v1  }
0x2a: {  	[tilespmem:$0x50B0] =	vst v1  }
0x2b: {  	[tilespmem:$0x50C0] =	vst v1  }
0x2c: {  	[tilespmem:$0x50D0] =	vst v1  }
0x2d: {  	[tilespmem:$0x50E0] =	vst v1  }
0x2e: {  	[tilespmem:$0x50F0] =	vst v1  }
0x2f: {  	[tilespmem:$0x5100] =	vst v1  }
0x30: {  	[tilespmem:$0x5110] =	vst v1  }
0x31: {  	[tilespmem:$0x5120] =	vst v1  }
0x32: {  	[tilespmem:$0x5130] =	vst v1  }
0x33: {  	[tilespmem:$0x5140] =	vst v1  }
0x34: {  	[tilespmem:$0x5150] =	vst v1  }
0x35: {  	[tilespmem:$0x5160] =	vst v1  }
0x36: {  	[tilespmem:$0x5170] =	vst v1  }
0x37: {  	[tilespmem:$0x5180] =	vst v1  }
0x38: {  	[tilespmem:$0x5190] =	vst v1  }
0x39: {  	[tilespmem:$0x51A0] =	vst v1  }
0x3a: {  	[tilespmem:$0x51B0] =	vst v1  }
0x3b: {  	[tilespmem:$0x51C0] =	vst v1  }
0x3c: {  	[tilespmem:$0x51D0] =	vst v1  }
0x3d: {  	[tilespmem:$0x51E0] =	vst v1  }
0x3e: {  	[tilespmem:$0x51F0] =	vst v1  }
0x3f: {  	[tilespmem:$0x5200] =	vst v1  }
0x40: {  	[tilespmem:$0x5210] =	vst v1  }
0x41: {  	[tilespmem:$0x5220] =	vst v1  }
0x42: {  	[tilespmem:$0x5230] =	vst v1  }
0x43: {  	[tilespmem:$0x5240] =	vst v1  }
0x44: {  	[tilespmem:$0x5250] =	vst v1  }
0x45: {  	[tilespmem:$0x5260] =	vst v1  }
0x46: {  	[tilespmem:$0x5270] =	vst v1  }
0x47: {  	[tilespmem:$0x5280] =	vst v1  }
0x48: {  	[tilespmem:$0x5290] =	vst v1  }
0x49: {  	[tilespmem:$0x52A0] =	vst v1  }
0x4a: {  	[tilespmem:$0x52B0] =	vst v1  }
0x4b: {  	[tilespmem:$0x52C0] =	vst v1  }
0x4c: {  	[tilespmem:$0x52D0] =	vst v1  }
0x4d: {  	[tilespmem:$0x52E0] =	vst v1  }
0x4e: {  	[tilespmem:$0x52F0] =	vst v1  }
0x4f: {  	[tilespmem:$0x5300] =	vst v1  }
0x50: {  	[tilespmem:$0x5310] =	vst v1  }
0x51: {  	[tilespmem:$0x5320] =	vst v1  }
0x52: {  	[tilespmem:$0x5330] =	vst v1  }
0x53: {  	[tilespmem:$0x5340] =	vst v1  }
0x54: {  	[tilespmem:$0x5350] =	vst v1  }
0x55: {  	[tilespmem:$0x5360] =	vst v1  }
0x56: {  	[tilespmem:$0x5370] =	vst v1  }
0x57: {  	[tilespmem:$0x5380] =	vst v1  }
0x58: {  	[tilespmem:$0x5390] =	vst v1  }
0x59: {  	[tilespmem:$0x53A0] =	vst v1  }
0x5a: {  	[tilespmem:$0x53B0] =	vst v1  }
0x5b: {  	[tilespmem:$0x53C0] =	vst v1  }
0x5c: {  	[tilespmem:$0x53D0] =	vst v1  }
0x5d: {  	[tilespmem:$0x53E0] =	vst v1  }
0x5e: {  	[tilespmem:$0x53F0] =	vst v1  }
0x5f: {  	[tilespmem:$0x5400] =	vst v0  }
0x60: {  	[tilespmem:$0x5410] =	vst v2  }
0x61: {  	[tilespmem:$0x5420] =	vst v3  }
0x62: {  	[tilespmem:$0x5430] =	vst v4  }
0x63: {  	s15 =	simm.s32 @!p0 $0x5000;
	[tilespmem:$0x5440] =	vst v5  }
0x64: {  	[spmem:s4] =	stream.linear.scatter @!p0 [tilespmem:s15], [sflag:$0x1], $0x400, $0x38;
	[tilespmem:$0x5700] =	vst v63  }
0x65: {  	s15 =	simm.s32 @!p0 $0x1  }
0x66: {  	_ =	swait.ge @!p0 [sflag:s15], $0x400  }
0x67: {  	[sflag:s15] =	ssyncset.done @!p0 $0x0  }
0x68: {  	[sflag:s15] =	ssyncadd.s32 @!p0 $0xFFFFFC00  }
0x69: {  	[bflag:$0x0] =	sbarrier.arrive $0xFFFF  }
0x6a: {  	[tilespmem:s3], [sflag:$0x1] =	stream.linear.gather [hbm4b:s5+s3], $0x2800, $0x38;
	[tilespmem:$0x5700] =	vst v63  }
0x6b: {  	_ =	swait.ge [sflag:s8], $0x2800  }
0x6c: {  	[sflag:s8] =	ssyncset.done $0x0  }
0x6d: {  	s15 =	simm.s32 $0x1C0;
	[sflag:s8] =	ssyncadd.s32 $0xFFFFD800  }
.LBB2_4:
0x6e: {  	s16 =	sshra.s32 s15, $0x2  }
0x6f: {  	v7 =	vld [tilespmem:s16+$0xFFFFFF90];
	_ =	sdelay $0x7  }
0x70: {  	[tilespmem:v7+s9+$0x0] =	vst.idx.add.f32.msk $0xffff, v6  }
0x71: {  	v7 =	vld [tilespmem:s16+$0xFFFFFFA0];
	_ =	sdelay $0x7  }
0x72: {  	[tilespmem:v7+s9+$0x0] =	vst.idx.add.f32.msk $0xffff, v6  }
0x73: {  	v7 =	vld [tilespmem:s16+$0xFFFFFFB0];
	_ =	sdelay $0x7  }
0x74: {  	[tilespmem:v7+s9+$0x0] =	vst.idx.add.f32.msk $0xffff, v6  }
0x75: {  	v7 =	vld [tilespmem:s16+$0xFFFFFFC0];
	_ =	sdelay $0x7  }
0x76: {  	[tilespmem:v7+s9+$0x0] =	vst.idx.add.f32.msk $0xffff, v6  }
0x77: {  	v7 =	vld [tilespmem:s16+$0xFFFFFFD0];
	_ =	sdelay $0x7  }
0x78: {  	[tilespmem:v7+s9+$0x0] =	vst.idx.add.f32.msk $0xffff, v6  }
0x79: {  	v7 =	vld [tilespmem:s16+$0xFFFFFFE0];
	_ =	sdelay $0x7  }
0x7a: {  	[tilespmem:v7+s9+$0x0] =	vst.idx.add.f32.msk $0xffff, v6  }
0x7b: {  	v7 =	vld [tilespmem:s16+$0xFFFFFFF0];
	_ =	sdelay $0x7  }
0x7c: {  	[tilespmem:v7+s9+$0x0] =	vst.idx.add.f32.msk $0xffff, v6  }
0x7d: {  	v7 =	vld [tilespmem:s16+$0x0];
	_ =	sdelay $0x2  }
0x7e: {  	p1 =	sne.s32 s15, $0x9FC0  }
.Ltmp1:
0x7f: {  	_ = 	snop;
	(pc) =	sbr.rel @p1 .LBB2_4-.Ltmp1, $2  }
0x80: {  	_ =	sdelay $0x2  }
0x81: {  	s15 =	sadd.s32 $0x200, s15;
	[tilespmem:v7+s9+$0x0] =	vst.idx.add.f32.msk $0xffff, v6  }
0x82: {  	[spmem:s2] =	stream.indirect.scatter.add.f32 [tilespmem:s9], [sflag:$0x1], $0x80, s11, s10, $0xb8;
	[tilespmem:$0x5700] =	vst v63  }
0x83: {  	_ =	swait.ge [sflag:s8], $0x2800  }
0x84: {  	s14 =	sadd.s32 $0x1, s14;
	[sflag:s8] =	ssyncset.done $0x0  }
0x85: {  	p1 =	sne.s32 s14, s7;
	[sflag:s8] =	ssyncadd.s32 $0xFFFFD800  }
.Ltmp2:
0x86: {  	s15 =	simm.s32 @!p0 $0x1;
	[bflag:$0x0] =	sbarrier.arrive $0xFFFF;
	(pc) =	sbr.rel @p1 .LBB2_1-.Ltmp2, $4  }
0x87: {  	[hbm:s6], [sflag:s12] =	dma.local @!p0 [spmem:s13], $0x80  }
0x88: {  	_ =	swait.ge @!p0 [sflag:s15], $0x80  }
0x89: {  	[sflag:s15] =	ssyncset.done @!p0 $0x0  }
0x8a: {  	[sflag:s15] =	ssyncadd.s32 @!p0 $0xFFFFFF80  }
0x8b: {  	_ =	sfence.sel $0x180000  }
0x8c: {  	[bflag:$0x0] =	sbarrier.arrive $0xFFFF  }
0x8d: {  	p0 =	sne.s32 s1, $0x0;
	_ =	strace $0x90000047  }
0x8e: {  	s0 =	sadd.s32 @!p0 $0x100000, s0;
	[bflag:$0x2] =	sbarrier.arrive $0xFFFF  }
0x8f: {  	[sflag:s0] =	ssyncadd.tile.s32 @!p0 $0x1;
	_ =	shalt  }
.Lfunc_end2:
_tile_overlayer_lowered:
.L_overlay_start_2:
0x90: {  	(tag) =	ssettag $0x2  }
0x91: {  	s0 =	rddreg [dreg:$0x0];
	s2 =	stileid.u32  }
0x92: {  	s1 =	rddreg [dreg:$0x1];
	p0 =	sne.s32 s2, $0x0  }
0x93: {  	s3 =	rddreg [dreg:$0x2];
	[bflag:$0x3] =	sbarrier.arrive $0xFFFF;
	s2 =	simm.s32 @!p0 $0x1C01  }
0x94: {  	[timem:s3], [sflag:s2] =	dma.local @!p0 [hbm:s0], s1  }
0x95: {  	s0 =	simm.s32 @!p0 $0x1  }
0x96: {  	_ =	swait.ge @!p0 [sflag:s0], s1  }
0x97: {  	s1 =	ssub.s32 @!p0 $0x0, s1;
	[sflag:s0] =	ssyncset.done @!p0 $0x0  }
0x98: {  	[sflag:s0] =	ssyncadd.s32 @!p0 s1  }
0x99: {  	[bflag:$0x3] =	sbarrier.arrive $0xFFFF  }
0x9a: {  	_ =	shalt  }

</sc_bundles>
